<compile_context>
chip_gen: v7x
topology: tpu7x:2x2x1
jax: 0.10.2.dev20260603
libtpu: 0.0.44.dev20260713+nightly
codegen_flags: <defaults>
</compile_context>

<pallas_src>
import functools
import math

import jax
import jax.numpy as jnp
from jax import lax
from jax.experimental import pallas as pl
from jax.experimental.pallas import tpu as pltpu
from jax.experimental.pallas import tpu_sc as plsc

NUM_CLASSES_ = 19
GS = 16
NC = 2
NS = 16
NW = NC * NS
LANES = 16

ROWS_TOTAL = 16 * 1024
ROW_W = 1024
ROWS_PER_W = ROWS_TOTAL // NW
CH = 32
NCH = ROWS_PER_W // CH
NPAIR = NCH // 2


def _row_or(buf, slot, r, a):
    zero = jnp.zeros((LANES,), jnp.int32)

    def body(x8, carry):
        a0, a1, a2, a3 = carry
        base = x8 * 128
        acc = [a0, a1, a2, a3]
        for k in range(8):
            v = buf[slot, r, pl.ds(base + k * LANES, LANES)]
            acc[k % 4] = acc[k % 4] | (1 << v)
        return tuple(acc)

    a0, a1, a2, a3 = lax.fori_loop(0, ROW_W // (8 * LANES), body,
                                   (a, zero, zero, zero))
    return (a0 | a1) | (a2 | a3)


def _process_slot(buf, acc_ref, slot):
    def row_body(r, carry):
        i = lax.rem(r, GS)
        acc_ref[i] = _row_or(buf, slot, r, acc_ref[i])
        return carry

    lax.fori_loop(0, CH, row_body, 0)


def _sc_body(t_hbm, out_hbm, buf, acc_ref, sem0, sem1):
    cid = lax.axis_index("c")
    sid = lax.axis_index("s")
    wid = sid * NC + cid
    base = wid * ROWS_PER_W
    b = wid // 2
    half = wid % 2

    def copy_in(chunk_rows, slot, sem):
        return pltpu.make_async_copy(
            t_hbm.at[pl.ds(base + chunk_rows, CH)], buf.at[slot], sem)

    copy_in(0, 0, sem0).start()
    copy_in(CH, 1, sem1).start()

    for i in range(GS):
        acc_ref[i] = jnp.zeros((LANES,), jnp.int32)

    def pair_body(p, carry):
        copy_in(0, 0, sem0).wait()
        _process_slot(buf, acc_ref, 0)

        @pl.when(p < NPAIR - 1)
        def _():
            copy_in((2 * p + 2) * CH, 0, sem0).start()

        copy_in(0, 1, sem1).wait()
        _process_slot(buf, acc_ref, 1)

        @pl.when(p < NPAIR - 1)
        def _():
            copy_in((2 * p + 3) * CH, 1, sem1).start()

        return carry

    lax.fori_loop(0, NPAIR, pair_body, 0)
    pltpu.sync_copy(acc_ref, out_hbm.at[half, b])


_sc_presence = functools.partial(
    pl.kernel,
    mesh=plsc.VectorSubcoreMesh(core_axis_name="c", subcore_axis_name="s"),
    out_type=jax.ShapeDtypeStruct((2, 16, GS, GS), jnp.int32),
    scratch_types=[
        pltpu.VMEM((2, CH, ROW_W), jnp.int32),
        pltpu.VMEM((GS, GS), jnp.int32),
        pltpu.SemaphoreType.DMA,
        pltpu.SemaphoreType.DMA,
    ],
)(_sc_body)


def _bce_body(off_ref, predsT_ref, masks_ref, out_ref):
    off = off_ref[0]
    m = masks_ref[0:1, :] | masks_ref[1:2, :]
    m_pos = m << jnp.maximum(off, 0)
    m_neg = lax.shift_right_logical(m, jnp.maximum(-off, 0))
    m = jnp.where(off >= 0, m_pos, m_neg)

    n, rows = predsT_ref.shape
    c = lax.broadcasted_iota(jnp.int32, (n, rows), 0)
    t = ((m >> c) & 1).astype(jnp.float32)
    x = predsT_ref[...]
    p = jax.nn.sigmoid(x)
    log_p = jnp.maximum(jnp.log(p), -100.0)
    log_1mp = jnp.maximum(jnp.log(1.0 - p), -100.0)
    loss = t * log_p + (1.0 - t) * log_1mp
    out_ref[0, 0] = -jnp.sum(loss) * (1.0 / float(n * rows))


def kernel(preds, targets, grid_scale):
    gs = int(math.isqrt(preds.shape[0] // targets.shape[0]))
    off = (jnp.asarray(grid_scale, jnp.int32) - gs).reshape((1,))

    t2 = targets.reshape(ROWS_TOTAL, ROW_W)
    partial = _sc_presence(t2)
    masks = partial.reshape(2, preds.shape[0])

    loss = pl.pallas_call(
        _bce_body,
        out_shape=jax.ShapeDtypeStruct((1, 1), jnp.float32),
        in_specs=[
            pl.BlockSpec(memory_space=pltpu.SMEM),
            pl.BlockSpec(memory_space=pltpu.VMEM),
            pl.BlockSpec(memory_space=pltpu.VMEM),
        ],
        out_specs=pl.BlockSpec(memory_space=pltpu.SMEM),
    )(off, preds.T, masks)
    return loss[0, 0]

# --- scband reference (transcript-rebuilt; emitter-appended) ---
"""Pipeline reference for scband-seg-encode-loss-26886495273304 (READ-ONLY COPY).

The authoritative reference and input builder live on the scoring server;
editing this copy changes nothing except your own understanding.
"""

import jax, jax.numpy as jnp
import numpy as np

NUM_CLASSES = 19

def setup_inputs(seed: int = 0):
    key = jax.random.key(seed)
    k1, k2 = jax.random.split(key)
    preds = jax.random.normal(k1, (4096, NUM_CLASSES), dtype=jnp.float32)
    targets = jax.random.randint(k2, (16, 1024, 1024), 0, NUM_CLASSES, dtype=jnp.int32)
    return {"preds": preds, "targets": targets, "grid_scale": 16}

def _batch_label_vector(targets, num_classes, grid_scale):
    b, h, w = targets.shape
    gs = grid_scale
    t = targets.reshape(b, h // gs, gs, w // gs, gs)
    t = jnp.transpose(t, (0, 2, 4, 1, 3)).reshape(b * gs * gs, h // gs, w // gs)
    batch = t.shape[0]
    flat = t.reshape(batch, -1)
    # torch.histc(bins=num_classes, min=0, max=num_classes-1) == per-row bincount here
    counts = jnp.zeros((batch, num_classes), dtype=jnp.float32)
    counts = counts.at[jnp.arange(batch)[:, None], flat].add(1.0)
    return (counts > 0).astype(jnp.float32)

def reference(preds, targets, grid_scale):
    gs = int(np.sqrt(preds.shape[0] // targets.shape[0]))
    targets = targets + (jnp.asarray(grid_scale) - gs).astype(targets.dtype)
    se_target = _batch_label_vector(targets, NUM_CLASSES, gs).astype(preds.dtype)
    p = jax.nn.sigmoid(preds)
    # nn.BCELoss clamps log terms at -100 like PyTorch
    log_p = jnp.clip(jnp.log(p), -100.0, None)
    log_1mp = jnp.clip(jnp.log(1.0 - p), -100.0, None)
    loss = -(se_target * log_p + (1.0 - se_target) * log_1mp)
    return jnp.mean(loss)

if __name__ == "__main__":
    import jax
    _d = setup_inputs()
    print(jax.jit(kernel)(*tuple(_d.values())))

</pallas_src>

<mosaic_0001>
#map = affine_map<(d0, d1) -> (0, 0)>
#map1 = affine_map<(d0, d1) -> (0, 0, 0, 0)>
module attributes {stable_mosaic.version = 14 : i64} {
  func.func @_sc_body(%arg0: i32, %arg1: i32, %arg2: memref<16384x1024xi32, #tpu.memory_space<hbm>>, %arg3: memref<2x16x16x16xi32, #tpu.memory_space<hbm>>, %arg4: memref<2x32x1024xi32, #tpu.memory_space<vmem>>, %arg5: memref<16x16xi32, #tpu.memory_space<vmem>>, %arg6: memref<!tpu.dma_semaphore, #tpu.memory_space<semaphore_mem>>, %arg7: memref<!tpu.dma_semaphore, #tpu.memory_space<semaphore_mem>>) attributes {dimension_semantics = [#tpu.dimension_semantics<core_parallel>, #tpu.dimension_semantics<subcore_parallel>], iteration_bounds = array<i64: 2, 16>, scalar_prefetch = 0 : i64, scratch_operands = 4 : i64, tpu.core_type = #tpu.core_type<sc_vector_subcore>, window_params = [{transform_indices = #map}, {transform_indices = #map1}]} {
    %mul3A = arith.constant 2 : i32
    %mul3A_0 = arith.muli %arg1, %mul3A : i32
    %add3A = arith.addi %mul3A_0, %arg0 : i32
    %mul3A_1 = arith.constant 512 : i32
    %mul3A_2 = arith.muli %add3A, %mul3A_1 : i32
    %jit3A = arith.constant 2 : i32
    %div3A = arith.divsi %add3A, %jit3A : i32
    %sign3A = arith.constant 0 : i32
    %sign3A_3 = arith.cmpi sgt, %add3A, %sign3A : i32
    %sign3A_4 = arith.extui %sign3A_3 : i1 to i32
    %sign3A_5 = arith.constant 0 : i32
    %sign3A_6 = arith.cmpi slt, %add3A, %sign3A_5 : i32
    %sign3A_7 = arith.extui %sign3A_6 : i1 to i32
    %sign3A_8 = arith.subi %sign3A_4, %sign3A_7 : i32
    %sign3A_9 = arith.constant 0 : i32
    %sign3A_10 = arith.cmpi sgt, %jit3A, %sign3A_9 : i32
    %sign3A_11 = arith.extui %sign3A_10 : i1 to i32
    %sign3A_12 = arith.constant 0 : i32
    %sign3A_13 = arith.cmpi slt, %jit3A, %sign3A_12 : i32
    %sign3A_14 = arith.extui %sign3A_13 : i1 to i32
    %sign3A_15 = arith.subi %sign3A_11, %sign3A_14 : i32
    %ne3A = arith.cmpi ne, %sign3A_8, %sign3A_15 : i32
    %rem3A = arith.remsi %add3A, %jit3A : i32
    %ne3A_16 = arith.constant 0 : i32
    %ne3A_17 = arith.cmpi ne, %rem3A, %ne3A_16 : i32
    %and3A = arith.andi %ne3A, %ne3A_17 : i1
    %sub3A = arith.constant 1 : i32
    %sub3A_18 = arith.subi %div3A, %sub3A : i32
    %select_n3A = arith.select %and3A, %sub3A_18, %div3A : i32
    %jit3A_19 = arith.constant 2 : i32
    %eq3A = arith.constant 0 : i32
    %eq3A_20 = arith.cmpi eq, %jit3A_19, %eq3A : i32
    %jit3A_21 = arith.constant 1 : i32
    %select_n3A_22 = arith.select %eq3A_20, %jit3A_21, %jit3A_19 : i32
    %rem3A_23 = arith.remsi %add3A, %select_n3A_22 : i32
    %ne3A_24 = arith.constant 0 : i32
    %ne3A_25 = arith.cmpi ne, %rem3A_23, %ne3A_24 : i32
    %lt3A = arith.constant 0 : i32
    %lt3A_26 = arith.cmpi slt, %rem3A_23, %lt3A : i32
    %lt3A_27 = arith.constant 0 : i32
    %lt3A_28 = arith.cmpi slt, %select_n3A_22, %lt3A_27 : i32
    %ne3A_29 = arith.xori %lt3A_26, %lt3A_28 : i1
    %and3A_30 = arith.andi %ne3A_29, %ne3A_25 : i1
    %add3A_31 = arith.addi %rem3A_23, %select_n3A_22 : i32
    %select_n3A_32 = arith.select %and3A_30, %add3A_31, %rem3A_23 : i32
    %add3A_33 = arith.constant 0 : i32
    %add3A_34 = arith.addi %mul3A_2, %add3A_33 : i32
    %dma_start3A = arith.constant 0 : i32
    %dma_start3A_35 = arith.constant 0 : i32
    %dma_start3A_36 = arith.constant 0 : i32
    %dma_start3A_37 = tpu.memref_slice %arg4[%dma_start3A, %dma_start3A_35, %dma_start3A_36] : memref<2x32x1024xi32, #tpu.memory_space<vmem>> -> memref<1x32x1024xi32, #tpu.memory_space<vmem>>
    %dma_start3A_38 = tpu.memref_squeeze %dma_start3A_37 : memref<1x32x1024xi32, #tpu.memory_space<vmem>> -> memref<32x1024xi32, #tpu.memory_space<vmem>>
    %dma_start3A_39 = arith.constant 0 : i32
    %dma_start3A_40 = tpu.memref_slice %arg2[%add3A_34, %dma_start3A_39] : memref<16384x1024xi32, #tpu.memory_space<hbm>> -> memref<32x1024xi32, #tpu.memory_space<hbm>>
    %dma_start3A_41 = arith.constant 0 : i32
    %dma_start3A_42 = arith.constant 0 : i32
    %dma_start3A_43 = tpu.memref_slice %arg4[%dma_start3A, %dma_start3A_41, %dma_start3A_42] : memref<2x32x1024xi32, #tpu.memory_space<vmem>> -> memref<1x32x1024xi32, #tpu.memory_space<vmem>>
    %dma_start3A_44 = tpu.memref_squeeze %dma_start3A_43 : memref<1x32x1024xi32, #tpu.memory_space<vmem>> -> memref<32x1024xi32, #tpu.memory_space<vmem>>
    %dma_start3A_45 = arith.constant 0 : i32
    %dma_start3A_46 = tpu.memref_slice %arg2[%add3A_34, %dma_start3A_45] : memref<16384x1024xi32, #tpu.memory_space<hbm>> -> memref<32x1024xi32, #tpu.memory_space<hbm>>
    tpu.enqueue_dma source(%dma_start3A_46 : memref<32x1024xi32, #tpu.memory_space<hbm>>) target(%dma_start3A_44 : memref<32x1024xi32, #tpu.memory_space<vmem>>) target_semaphore(%arg6 : memref<!tpu.dma_semaphore, #tpu.memory_space<semaphore_mem>>)
    %add3A_47 = arith.constant 32 : i32
    %add3A_48 = arith.addi %mul3A_2, %add3A_47 : i32
    %dma_start3A_49 = arith.constant 1 : i32
    %dma_start3A_50 = arith.constant 0 : i32
    %dma_start3A_51 = arith.constant 0 : i32
    %dma_start3A_52 = tpu.memref_slice %arg4[%dma_start3A_49, %dma_start3A_50, %dma_start3A_51] : memref<2x32x1024xi32, #tpu.memory_space<vmem>> -> memref<1x32x1024xi32, #tpu.memory_space<vmem>>
    %dma_start3A_53 = tpu.memref_squeeze %dma_start3A_52 : memref<1x32x1024xi32, #tpu.memory_space<vmem>> -> memref<32x1024xi32, #tpu.memory_space<vmem>>
    %dma_start3A_54 = arith.constant 0 : i32
    %dma_start3A_55 = tpu.memref_slice %arg2[%add3A_48, %dma_start3A_54] : memref<16384x1024xi32, #tpu.memory_space<hbm>> -> memref<32x1024xi32, #tpu.memory_space<hbm>>
    %dma_start3A_56 = arith.constant 0 : i32
    %dma_start3A_57 = arith.constant 0 : i32
    %dma_start3A_58 = tpu.memref_slice %arg4[%dma_start3A_49, %dma_start3A_56, %dma_start3A_57] : memref<2x32x1024xi32, #tpu.memory_space<vmem>> -> memref<1x32x1024xi32, #tpu.memory_space<vmem>>
    %dma_start3A_59 = tpu.memref_squeeze %dma_start3A_58 : memref<1x32x1024xi32, #tpu.memory_space<vmem>> -> memref<32x1024xi32, #tpu.memory_space<vmem>>
    %dma_start3A_60 = arith.constant 0 : i32
    %dma_start3A_61 = tpu.memref_slice %arg2[%add3A_48, %dma_start3A_60] : memref<16384x1024xi32, #tpu.memory_space<hbm>> -> memref<32x1024xi32, #tpu.memory_space<hbm>>
    tpu.enqueue_dma source(%dma_start3A_61 : memref<32x1024xi32, #tpu.memory_space<hbm>>) target(%dma_start3A_59 : memref<32x1024xi32, #tpu.memory_space<vmem>>) target_semaphore(%arg7 : memref<!tpu.dma_semaphore, #tpu.memory_space<semaphore_mem>>)
    %broadcast_in_dim3A = arith.constant 0 : i32
    %broadcast_in_dim3A_62 = vector.broadcast %broadcast_in_dim3A : i32 to vector<16xi32>
    %swap3A = arith.constant 0 : i32
    %swap3A_63 = arith.index_cast %swap3A : i32 to index
    %swap3A_64 = arith.constant 0 : index
    %swap3A_65 = tpu.vector_load %arg5[%swap3A_63, %swap3A_64] {strides = array<i32>} : memref<16x16xi32, #tpu.memory_space<vmem>>, vector<1x16xi32>,
    %swap3A_66 = vector.shape_cast %swap3A_65 : vector<1x16xi32> to vector<16xi32>
    %swap3A_67 = vector.shape_cast %broadcast_in_dim3A_62 : vector<16xi32> to vector<1x16xi32>
    tpu.vector_store %arg5[%swap3A_63, %swap3A_64], %swap3A_67 {strides = array<i32>} : memref<16x16xi32, #tpu.memory_space<vmem>>, vector<1x16xi32>,
    %broadcast_in_dim3A_68 = arith.constant 0 : i32
    %broadcast_in_dim3A_69 = vector.broadcast %broadcast_in_dim3A_68 : i32 to vector<16xi32>
    %swap3A_70 = arith.constant 1 : i32
    %swap3A_71 = arith.index_cast %swap3A_70 : i32 to index
    %swap3A_72 = arith.constant 0 : index
    %swap3A_73 = tpu.vector_load %arg5[%swap3A_71, %swap3A_72] {strides = array<i32>} : memref<16x16xi32, #tpu.memory_space<vmem>>, vector<1x16xi32>,
    %swap3A_74 = vector.shape_cast %swap3A_73 : vector<1x16xi32> to vector<16xi32>
    %swap3A_75 = vector.shape_cast %broadcast_in_dim3A_69 : vector<16xi32> to vector<1x16xi32>
    tpu.vector_store %arg5[%swap3A_71, %swap3A_72], %swap3A_75 {strides = array<i32>} : memref<16x16xi32, #tpu.memory_space<vmem>>, vector<1x16xi32>,
    %broadcast_in_dim3A_76 = arith.constant 0 : i32
    %broadcast_in_dim3A_77 = vector.broadcast %broadcast_in_dim3A_76 : i32 to vector<16xi32>
    %swap3A_78 = arith.constant 2 : i32
    %swap3A_79 = arith.index_cast %swap3A_78 : i32 to index
    %swap3A_80 = arith.constant 0 : index
    %swap3A_81 = tpu.vector_load %arg5[%swap3A_79, %swap3A_80] {strides = array<i32>} : memref<16x16xi32, #tpu.memory_space<vmem>>, vector<1x16xi32>,
    %swap3A_82 = vector.shape_cast %swap3A_81 : vector<1x16xi32> to vector<16xi32>
    %swap3A_83 = vector.shape_cast %broadcast_in_dim3A_77 : vector<16xi32> to vector<1x16xi32>
    tpu.vector_store %arg5[%swap3A_79, %swap3A_80], %swap3A_83 {strides = array<i32>} : memref<16x16xi32, #tpu.memory_space<vmem>>, vector<1x16xi32>,
    %broadcast_in_dim3A_84 = arith.constant 0 : i32
    %broadcast_in_dim3A_85 = vector.broadcast %broadcast_in_dim3A_84 : i32 to vector<16xi32>
    %swap3A_86 = arith.constant 3 : i32
    %swap3A_87 = arith.index_cast %swap3A_86 : i32 to index
    %swap3A_88 = arith.constant 0 : index
    %swap3A_89 = tpu.vector_load %arg5[%swap3A_87, %swap3A_88] {strides = array<i32>} : memref<16x16xi32, #tpu.memory_space<vmem>>, vector<1x16xi32>,
    %swap3A_90 = vector.shape_cast %swap3A_89 : vector<1x16xi32> to vector<16xi32>
    %swap3A_91 = vector.shape_cast %broadcast_in_dim3A_85 : vector<16xi32> to vector<1x16xi32>
    tpu.vector_store %arg5[%swap3A_87, %swap3A_88], %swap3A_91 {strides = array<i32>} : memref<16x16xi32, #tpu.memory_space<vmem>>, vector<1x16xi32>,
    %broadcast_in_dim3A_92 = arith.constant 0 : i32
    %broadcast_in_dim3A_93 = vector.broadcast %broadcast_in_dim3A_92 : i32 to vector<16xi32>
    %swap3A_94 = arith.constant 4 : i32
    %swap3A_95 = arith.index_cast %swap3A_94 : i32 to index
    %swap3A_96 = arith.constant 0 : index
    %swap3A_97 = tpu.vector_load %arg5[%swap3A_95, %swap3A_96] {strides = array<i32>} : memref<16x16xi32, #tpu.memory_space<vmem>>, vector<1x16xi32>,
    %swap3A_98 = vector.shape_cast %swap3A_97 : vector<1x16xi32> to vector<16xi32>
    %swap3A_99 = vector.shape_cast %broadcast_in_dim3A_93 : vector<16xi32> to vector<1x16xi32>
    tpu.vector_store %arg5[%swap3A_95, %swap3A_96], %swap3A_99 {strides = array<i32>} : memref<16x16xi32, #tpu.memory_space<vmem>>, vector<1x16xi32>,
    %broadcast_in_dim3A_100 = arith.constant 0 : i32
    %broadcast_in_dim3A_101 = vector.broadcast %broadcast_in_dim3A_100 : i32 to vector<16xi32>
    %swap3A_102 = arith.constant 5 : i32
    %swap3A_103 = arith.index_cast %swap3A_102 : i32 to index
    %swap3A_104 = arith.constant 0 : index
    %swap3A_105 = tpu.vector_load %arg5[%swap3A_103, %swap3A_104] {strides = array<i32>} : memref<16x16xi32, #tpu.memory_space<vmem>>, vector<1x16xi32>,
    %swap3A_106 = vector.shape_cast %swap3A_105 : vector<1x16xi32> to vector<16xi32>
    %swap3A_107 = vector.shape_cast %broadcast_in_dim3A_101 : vector<16xi32> to vector<1x16xi32>
    tpu.vector_store %arg5[%swap3A_103, %swap3A_104], %swap3A_107 {strides = array<i32>} : memref<16x16xi32, #tpu.memory_space<vmem>>, vector<1x16xi32>,
    %broadcast_in_dim3A_108 = arith.constant 0 : i32
    %broadcast_in_dim3A_109 = vector.broadcast %broadcast_in_dim3A_108 : i32 to vector<16xi32>
    %swap3A_110 = arith.constant 6 : i32
    %swap3A_111 = arith.index_cast %swap3A_110 : i32 to index
    %swap3A_112 = arith.constant 0 : index
    %swap3A_113 = tpu.vector_load %arg5[%swap3A_111, %swap3A_112] {strides = array<i32>} : memref<16x16xi32, #tpu.memory_space<vmem>>, vector<1x16xi32>,
    %swap3A_114 = vector.shape_cast %swap3A_113 : vector<1x16xi32> to vector<16xi32>
    %swap3A_115 = vector.shape_cast %broadcast_in_dim3A_109 : vector<16xi32> to vector<1x16xi32>
    tpu.vector_store %arg5[%swap3A_111, %swap3A_112], %swap3A_115 {strides = array<i32>} : memref<16x16xi32, #tpu.memory_space<vmem>>, vector<1x16xi32>,
    %broadcast_in_dim3A_116 = arith.constant 0 : i32
    %broadcast_in_dim3A_117 = vector.broadcast %broadcast_in_dim3A_116 : i32 to vector<16xi32>
    %swap3A_118 = arith.constant 7 : i32
    %swap3A_119 = arith.index_cast %swap3A_118 : i32 to index
    %swap3A_120 = arith.constant 0 : index
    %swap3A_121 = tpu.vector_load %arg5[%swap3A_119, %swap3A_120] {strides = array<i32>} : memref<16x16xi32, #tpu.memory_space<vmem>>, vector<1x16xi32>,
    %swap3A_122 = vector.shape_cast %swap3A_121 : vector<1x16xi32> to vector<16xi32>
    %swap3A_123 = vector.shape_cast %broadcast_in_dim3A_117 : vector<16xi32> to vector<1x16xi32>
    tpu.vector_store %arg5[%swap3A_119, %swap3A_120], %swap3A_123 {strides = array<i32>} : memref<16x16xi32, #tpu.memory_space<vmem>>, vector<1x16xi32>,
    %broadcast_in_dim3A_124 = arith.constant 0 : i32
    %broadcast_in_dim3A_125 = vector.broadcast %broadcast_in_dim3A_124 : i32 to vector<16xi32>
    %swap3A_126 = arith.constant 8 : i32
    %swap3A_127 = arith.index_cast %swap3A_126 : i32 to index
    %swap3A_128 = arith.constant 0 : index
    %swap3A_129 = tpu.vector_load %arg5[%swap3A_127, %swap3A_128] {strides = array<i32>} : memref<16x16xi32, #tpu.memory_space<vmem>>, vector<1x16xi32>,
    %swap3A_130 = vector.shape_cast %swap3A_129 : vector<1x16xi32> to vector<16xi32>
    %swap3A_131 = vector.shape_cast %broadcast_in_dim3A_125 : vector<16xi32> to vector<1x16xi32>
    tpu.vector_store %arg5[%swap3A_127, %swap3A_128], %swap3A_131 {strides = array<i32>} : memref<16x16xi32, #tpu.memory_space<vmem>>, vector<1x16xi32>,
    %broadcast_in_dim3A_132 = arith.constant 0 : i32
    %broadcast_in_dim3A_133 = vector.broadcast %broadcast_in_dim3A_132 : i32 to vector<16xi32>
    %swap3A_134 = arith.constant 9 : i32
    %swap3A_135 = arith.index_cast %swap3A_134 : i32 to index
    %swap3A_136 = arith.constant 0 : index
    %swap3A_137 = tpu.vector_load %arg5[%swap3A_135, %swap3A_136] {strides = array<i32>} : memref<16x16xi32, #tpu.memory_space<vmem>>, vector<1x16xi32>,
    %swap3A_138 = vector.shape_cast %swap3A_137 : vector<1x16xi32> to vector<16xi32>
    %swap3A_139 = vector.shape_cast %broadcast_in_dim3A_133 : vector<16xi32> to vector<1x16xi32>
    tpu.vector_store %arg5[%swap3A_135, %swap3A_136], %swap3A_139 {strides = array<i32>} : memref<16x16xi32, #tpu.memory_space<vmem>>, vector<1x16xi32>,
    %broadcast_in_dim3A_140 = arith.constant 0 : i32
    %broadcast_in_dim3A_141 = vector.broadcast %broadcast_in_dim3A_140 : i32 to vector<16xi32>
    %swap3A_142 = arith.constant 10 : i32
    %swap3A_143 = arith.index_cast %swap3A_142 : i32 to index
    %swap3A_144 = arith.constant 0 : index
    %swap3A_145 = tpu.vector_load %arg5[%swap3A_143, %swap3A_144] {strides = array<i32>} : memref<16x16xi32, #tpu.memory_space<vmem>>, vector<1x16xi32>,
    %swap3A_146 = vector.shape_cast %swap3A_145 : vector<1x16xi32> to vector<16xi32>
    %swap3A_147 = vector.shape_cast %broadcast_in_dim3A_141 : vector<16xi32> to vector<1x16xi32>
    tpu.vector_store %arg5[%swap3A_143, %swap3A_144], %swap3A_147 {strides = array<i32>} : memref<16x16xi32, #tpu.memory_space<vmem>>, vector<1x16xi32>,
    %broadcast_in_dim3A_148 = arith.constant 0 : i32
    %broadcast_in_dim3A_149 = vector.broadcast %broadcast_in_dim3A_148 : i32 to vector<16xi32>
    %swap3A_150 = arith.constant 11 : i32
    %swap3A_151 = arith.index_cast %swap3A_150 : i32 to index
    %swap3A_152 = arith.constant 0 : index
    %swap3A_153 = tpu.vector_load %arg5[%swap3A_151, %swap3A_152] {strides = array<i32>} : memref<16x16xi32, #tpu.memory_space<vmem>>, vector<1x16xi32>,
    %swap3A_154 = vector.shape_cast %swap3A_153 : vector<1x16xi32> to vector<16xi32>
    %swap3A_155 = vector.shape_cast %broadcast_in_dim3A_149 : vector<16xi32> to vector<1x16xi32>
    tpu.vector_store %arg5[%swap3A_151, %swap3A_152], %swap3A_155 {strides = array<i32>} : memref<16x16xi32, #tpu.memory_space<vmem>>, vector<1x16xi32>,
    %broadcast_in_dim3A_156 = arith.constant 0 : i32
    %broadcast_in_dim3A_157 = vector.broadcast %broadcast_in_dim3A_156 : i32 to vector<16xi32>
    %swap3A_158 = arith.constant 12 : i32
    %swap3A_159 = arith.index_cast %swap3A_158 : i32 to index
    %swap3A_160 = arith.constant 0 : index
    %swap3A_161 = tpu.vector_load %arg5[%swap3A_159, %swap3A_160] {strides = array<i32>} : memref<16x16xi32, #tpu.memory_space<vmem>>, vector<1x16xi32>,
    %swap3A_162 = vector.shape_cast %swap3A_161 : vector<1x16xi32> to vector<16xi32>
    %swap3A_163 = vector.shape_cast %broadcast_in_dim3A_157 : vector<16xi32> to vector<1x16xi32>
    tpu.vector_store %arg5[%swap3A_159, %swap3A_160], %swap3A_163 {strides = array<i32>} : memref<16x16xi32, #tpu.memory_space<vmem>>, vector<1x16xi32>,
    %broadcast_in_dim3A_164 = arith.constant 0 : i32
    %broadcast_in_dim3A_165 = vector.broadcast %broadcast_in_dim3A_164 : i32 to vector<16xi32>
    %swap3A_166 = arith.constant 13 : i32
    %swap3A_167 = arith.index_cast %swap3A_166 : i32 to index
    %swap3A_168 = arith.constant 0 : index
    %swap3A_169 = tpu.vector_load %arg5[%swap3A_167, %swap3A_168] {strides = array<i32>} : memref<16x16xi32, #tpu.memory_space<vmem>>, vector<1x16xi32>,
    %swap3A_170 = vector.shape_cast %swap3A_169 : vector<1x16xi32> to vector<16xi32>
    %swap3A_171 = vector.shape_cast %broadcast_in_dim3A_165 : vector<16xi32> to vector<1x16xi32>
    tpu.vector_store %arg5[%swap3A_167, %swap3A_168], %swap3A_171 {strides = array<i32>} : memref<16x16xi32, #tpu.memory_space<vmem>>, vector<1x16xi32>,
    %broadcast_in_dim3A_172 = arith.constant 0 : i32
    %broadcast_in_dim3A_173 = vector.broadcast %broadcast_in_dim3A_172 : i32 to vector<16xi32>
    %swap3A_174 = arith.constant 14 : i32
    %swap3A_175 = arith.index_cast %swap3A_174 : i32 to index
    %swap3A_176 = arith.constant 0 : index
    %swap3A_177 = tpu.vector_load %arg5[%swap3A_175, %swap3A_176] {strides = array<i32>} : memref<16x16xi32, #tpu.memory_space<vmem>>, vector<1x16xi32>,
    %swap3A_178 = vector.shape_cast %swap3A_177 : vector<1x16xi32> to vector<16xi32>
    %swap3A_179 = vector.shape_cast %broadcast_in_dim3A_173 : vector<16xi32> to vector<1x16xi32>
    tpu.vector_store %arg5[%swap3A_175, %swap3A_176], %swap3A_179 {strides = array<i32>} : memref<16x16xi32, #tpu.memory_space<vmem>>, vector<1x16xi32>,
    %broadcast_in_dim3A_180 = arith.constant 0 : i32
    %broadcast_in_dim3A_181 = vector.broadcast %broadcast_in_dim3A_180 : i32 to vector<16xi32>
    %swap3A_182 = arith.constant 15 : i32
    %swap3A_183 = arith.index_cast %swap3A_182 : i32 to index
    %swap3A_184 = arith.constant 0 : index
    %swap3A_185 = tpu.vector_load %arg5[%swap3A_183, %swap3A_184] {strides = array<i32>} : memref<16x16xi32, #tpu.memory_space<vmem>>, vector<1x16xi32>,
    %swap3A_186 = vector.shape_cast %swap3A_185 : vector<1x16xi32> to vector<16xi32>
    %swap3A_187 = vector.shape_cast %broadcast_in_dim3A_181 : vector<16xi32> to vector<1x16xi32>
    tpu.vector_store %arg5[%swap3A_183, %swap3A_184], %swap3A_187 {strides = array<i32>} : memref<16x16xi32, #tpu.memory_space<vmem>>, vector<1x16xi32>,
    %scan3A = arith.constant 0 : i32
    %scan3A_188 = arith.constant 0 : i32
    %scan3A_189 = arith.constant 8 : i32
    %scan3A_190 = arith.addi %scan3A_188, %scan3A_189 : i32
    %scan3A_191 = arith.constant 1 : i32
    scf.for %scan3A_193 = %scan3A_188 to %scan3A_190 step %scan3A_191  : i32 {
      %add3A_194 = arith.constant 0 : i32
      %add3A_195 = arith.addi %mul3A_2, %add3A_194 : i32
      %dma_wait3A = arith.constant 0 : i32
      %dma_wait3A_196 = arith.constant 0 : i32
      %dma_wait3A_197 = arith.constant 0 : i32
      %dma_wait3A_198 = tpu.memref_slice %arg4[%dma_wait3A, %dma_wait3A_196, %dma_wait3A_197] : memref<2x32x1024xi32, #tpu.memory_space<vmem>> -> memref<1x32x1024xi32, #tpu.memory_space<vmem>>
      %dma_wait3A_199 = tpu.memref_squeeze %dma_wait3A_198 : memref<1x32x1024xi32, #tpu.memory_space<vmem>> -> memref<32x1024xi32, #tpu.memory_space<vmem>>
      %dma_wait3A_200 = arith.constant 0 : i32
      %dma_wait3A_201 = tpu.memref_slice %arg2[%add3A_195, %dma_wait3A_200] : memref<16384x1024xi32, #tpu.memory_space<hbm>> -> memref<32x1024xi32, #tpu.memory_space<hbm>>
      %dma_wait3A_202 = arith.constant 0 : i32
      %dma_wait3A_203 = arith.constant 0 : i32
      %dma_wait3A_204 = tpu.memref_slice %arg4[%dma_wait3A, %dma_wait3A_202, %dma_wait3A_203] : memref<2x32x1024xi32, #tpu.memory_space<vmem>> -> memref<1x32x1024xi32, #tpu.memory_space<vmem>>
      %dma_wait3A_205 = tpu.memref_squeeze %dma_wait3A_204 : memref<1x32x1024xi32, #tpu.memory_space<vmem>> -> memref<32x1024xi32, #tpu.memory_space<vmem>>
      %dma_wait3A_206 = arith.constant 0 : i32
      %dma_wait3A_207 = tpu.memref_slice %arg2[%add3A_195, %dma_wait3A_206] : memref<16384x1024xi32, #tpu.memory_space<hbm>> -> memref<32x1024xi32, #tpu.memory_space<hbm>>
      tpu.wait_dma2 semaphore(%arg6 : memref<!tpu.dma_semaphore, #tpu.memory_space<semaphore_mem>>) src(%dma_wait3A_207 : memref<32x1024xi32, #tpu.memory_space<hbm>>) dst(%dma_wait3A_205 : memref<32x1024xi32, #tpu.memory_space<vmem>>)
      %scan3A_208 = arith.constant 0 : i32
      %scan3A_209 = arith.constant 0 : i32
      %scan3A_210 = arith.constant 32 : i32
      %scan3A_211 = arith.addi %scan3A_209, %scan3A_210 : i32
      %scan3A_212 = arith.constant 1 : i32
      scf.for %scan3A_243 = %scan3A_209 to %scan3A_211 step %scan3A_212  : i32 {
        %rem3A_244 = arith.constant 16 : i32
        %rem3A_245 = arith.remsi %scan3A_243, %rem3A_244 : i32
        %get3A = arith.index_cast %rem3A_245 : i32 to index
        %get3A_246 = arith.constant 0 : index
        %get3A_247 = tpu.vector_load %arg5[%get3A, %get3A_246] {strides = array<i32>} : memref<16x16xi32, #tpu.memory_space<vmem>>, vector<1x16xi32>,
        %get3A_248 = vector.shape_cast %get3A_247 : vector<1x16xi32> to vector<16xi32>
        %broadcast_in_dim3A_249 = arith.constant 0 : i32
        %broadcast_in_dim3A_250 = vector.broadcast %broadcast_in_dim3A_249 : i32 to vector<16xi32>
        %scan3A_251 = arith.constant 0 : i32
        %scan3A_252 = arith.constant 8 : i32
        %scan3A_253 = arith.addi %scan3A_251, %scan3A_252 : i32
        %scan3A_254 = arith.constant 1 : i32
        %scan3A_255:4 = scf.for %scan3A_264 = %scan3A_251 to %scan3A_253 step %scan3A_254 iter_args(%scan3A_265 = %get3A_248, %scan3A_266 = %broadcast_in_dim3A_250, %scan3A_267 = %broadcast_in_dim3A_250, %scan3A_268 = %broadcast_in_dim3A_250) -> (vector<16xi32>, vector<16xi32>, vector<16xi32>, vector<16xi32>)  : i32 {
          %mul3A_269 = arith.constant 128 : i32
          %mul3A_270 = arith.muli %scan3A_264, %mul3A_269 : i32
          %add3A_271 = arith.constant 0 : i32
          %add3A_272 = arith.addi %mul3A_270, %add3A_271 : i32
          %get3A_273 = arith.constant 0 : i32
          %get3A_274 = arith.index_cast %get3A_273 : i32 to index
          %get3A_275 = arith.index_cast %scan3A_243 : i32 to index
          %get3A_276 = arith.index_cast %add3A_272 : i32 to index
          %get3A_277 = tpu.vector_load %arg4[%get3A_274, %get3A_275, %get3A_276] {strides = array<i32>} : memref<2x32x1024xi32, #tpu.memory_space<vmem>>, vector<1x1x16xi32>,
          %get3A_278 = vector.shape_cast %get3A_277 : vector<1x1x16xi32> to vector<16xi32>
          %shift_left3A = arith.constant 1 : i32
          %shift_left3A_279 = vector.broadcast %shift_left3A : i32 to vector<16xi32>
          %shift_left3A_280 = arith.shli %shift_left3A_279, %get3A_278 : vector<16xi32>
          %or3A_281 = arith.ori %scan3A_265, %shift_left3A_280 : vector<16xi32>
          %add3A_282 = arith.constant 16 : i32
          %add3A_283 = arith.addi %mul3A_270, %add3A_282 : i32
          %get3A_284 = arith.constant 0 : i32
          %get3A_285 = arith.index_cast %get3A_284 : i32 to index
          %get3A_286 = arith.index_cast %scan3A_243 : i32 to index
          %get3A_287 = arith.index_cast %add3A_283 : i32 to index
          %get3A_288 = tpu.vector_load %arg4[%get3A_285, %get3A_286, %get3A_287] {strides = array<i32>} : memref<2x32x1024xi32, #tpu.memory_space<vmem>>, vector<1x1x16xi32>,
          %get3A_289 = vector.shape_cast %get3A_288 : vector<1x1x16xi32> to vector<16xi32>
          %shift_left3A_290 = arith.constant 1 : i32
          %shift_left3A_291 = vector.broadcast %shift_left3A_290 : i32 to vector<16xi32>
          %shift_left3A_292 = arith.shli %shift_left3A_291, %get3A_289 : vector<16xi32>
          %or3A_293 = arith.ori %scan3A_266, %shift_left3A_292 : vector<16xi32>
          %add3A_294 = arith.constant 32 : i32
          %add3A_295 = arith.addi %mul3A_270, %add3A_294 : i32
          %get3A_296 = arith.constant 0 : i32
          %get3A_297 = arith.index_cast %get3A_296 : i32 to index
          %get3A_298 = arith.index_cast %scan3A_243 : i32 to index
          %get3A_299 = arith.index_cast %add3A_295 : i32 to index
          %get3A_300 = tpu.vector_load %arg4[%get3A_297, %get3A_298, %get3A_299] {strides = array<i32>} : memref<2x32x1024xi32, #tpu.memory_space<vmem>>, vector<1x1x16xi32>,
          %get3A_301 = vector.shape_cast %get3A_300 : vector<1x1x16xi32> to vector<16xi32>
          %shift_left3A_302 = arith.constant 1 : i32
          %shift_left3A_303 = vector.broadcast %shift_left3A_302 : i32 to vector<16xi32>
          %shift_left3A_304 = arith.shli %shift_left3A_303, %get3A_301 : vector<16xi32>
          %or3A_305 = arith.ori %scan3A_267, %shift_left3A_304 : vector<16xi32>
          %add3A_306 = arith.constant 48 : i32
          %add3A_307 = arith.addi %mul3A_270, %add3A_306 : i32
          %get3A_308 = arith.constant 0 : i32
          %get3A_309 = arith.index_cast %get3A_308 : i32 to index
          %get3A_310 = arith.index_cast %scan3A_243 : i32 to index
          %get3A_311 = arith.index_cast %add3A_307 : i32 to index
          %get3A_312 = tpu.vector_load %arg4[%get3A_309, %get3A_310, %get3A_311] {strides = array<i32>} : memref<2x32x1024xi32, #tpu.memory_space<vmem>>, vector<1x1x16xi32>,
          %get3A_313 = vector.shape_cast %get3A_312 : vector<1x1x16xi32> to vector<16xi32>
          %shift_left3A_314 = arith.constant 1 : i32
          %shift_left3A_315 = vector.broadcast %shift_left3A_314 : i32 to vector<16xi32>
          %shift_left3A_316 = arith.shli %shift_left3A_315, %get3A_313 : vector<16xi32>
          %or3A_317 = arith.ori %scan3A_268, %shift_left3A_316 : vector<16xi32>
          %add3A_318 = arith.constant 64 : i32
          %add3A_319 = arith.addi %mul3A_270, %add3A_318 : i32
          %get3A_320 = arith.constant 0 : i32
          %get3A_321 = arith.index_cast %get3A_320 : i32 to index
          %get3A_322 = arith.index_cast %scan3A_243 : i32 to index
          %get3A_323 = arith.index_cast %add3A_319 : i32 to index
          %get3A_324 = tpu.vector_load %arg4[%get3A_321, %get3A_322, %get3A_323] {strides = array<i32>} : memref<2x32x1024xi32, #tpu.memory_space<vmem>>, vector<1x1x16xi32>,
          %get3A_325 = vector.shape_cast %get3A_324 : vector<1x1x16xi32> to vector<16xi32>
          %shift_left3A_326 = arith.constant 1 : i32
          %shift_left3A_327 = vector.broadcast %shift_left3A_326 : i32 to vector<16xi32>
          %shift_left3A_328 = arith.shli %shift_left3A_327, %get3A_325 : vector<16xi32>
          %or3A_329 = arith.ori %or3A_281, %shift_left3A_328 : vector<16xi32>
          %add3A_330 = arith.constant 80 : i32
          %add3A_331 = arith.addi %mul3A_270, %add3A_330 : i32
          %get3A_332 = arith.constant 0 : i32
          %get3A_333 = arith.index_cast %get3A_332 : i32 to index
          %get3A_334 = arith.index_cast %scan3A_243 : i32 to index
          %get3A_335 = arith.index_cast %add3A_331 : i32 to index
          %get3A_336 = tpu.vector_load %arg4[%get3A_333, %get3A_334, %get3A_335] {strides = array<i32>} : memref<2x32x1024xi32, #tpu.memory_space<vmem>>, vector<1x1x16xi32>,
          %get3A_337 = vector.shape_cast %get3A_336 : vector<1x1x16xi32> to vector<16xi32>
          %shift_left3A_338 = arith.constant 1 : i32
          %shift_left3A_339 = vector.broadcast %shift_left3A_338 : i32 to vector<16xi32>
          %shift_left3A_340 = arith.shli %shift_left3A_339, %get3A_337 : vector<16xi32>
          %or3A_341 = arith.ori %or3A_293, %shift_left3A_340 : vector<16xi32>
          %add3A_342 = arith.constant 96 : i32
          %add3A_343 = arith.addi %mul3A_270, %add3A_342 : i32
          %get3A_344 = arith.constant 0 : i32
          %get3A_345 = arith.index_cast %get3A_344 : i32 to index
          %get3A_346 = arith.index_cast %scan3A_243 : i32 to index
          %get3A_347 = arith.index_cast %add3A_343 : i32 to index
          %get3A_348 = tpu.vector_load %arg4[%get3A_345, %get3A_346, %get3A_347] {strides = array<i32>} : memref<2x32x1024xi32, #tpu.memory_space<vmem>>, vector<1x1x16xi32>,
          %get3A_349 = vector.shape_cast %get3A_348 : vector<1x1x16xi32> to vector<16xi32>
          %shift_left3A_350 = arith.constant 1 : i32
          %shift_left3A_351 = vector.broadcast %shift_left3A_350 : i32 to vector<16xi32>
          %shift_left3A_352 = arith.shli %shift_left3A_351, %get3A_349 : vector<16xi32>
          %or3A_353 = arith.ori %or3A_305, %shift_left3A_352 : vector<16xi32>
          %add3A_354 = arith.constant 112 : i32
          %add3A_355 = arith.addi %mul3A_270, %add3A_354 : i32
          %get3A_356 = arith.constant 0 : i32
          %get3A_357 = arith.index_cast %get3A_356 : i32 to index
          %get3A_358 = arith.index_cast %scan3A_243 : i32 to index
          %get3A_359 = arith.index_cast %add3A_355 : i32 to index
          %get3A_360 = tpu.vector_load %arg4[%get3A_357, %get3A_358, %get3A_359] {strides = array<i32>} : memref<2x32x1024xi32, #tpu.memory_space<vmem>>, vector<1x1x16xi32>,
          %get3A_361 = vector.shape_cast %get3A_360 : vector<1x1x16xi32> to vector<16xi32>
          %shift_left3A_362 = arith.constant 1 : i32
          %shift_left3A_363 = vector.broadcast %shift_left3A_362 : i32 to vector<16xi32>
          %shift_left3A_364 = arith.shli %shift_left3A_363, %get3A_361 : vector<16xi32>
          %or3A_365 = arith.ori %or3A_317, %shift_left3A_364 : vector<16xi32>
          scf.yield %or3A_329, %or3A_341, %or3A_353, %or3A_365 : vector<16xi32>, vector<16xi32>, vector<16xi32>, vector<16xi32>
        }
        %scan3A_256 = arith.constant 8 : i32
        %or3A = arith.ori %scan3A_255#0, %scan3A_255#1 : vector<16xi32>
        %or3A_257 = arith.ori %scan3A_255#2, %scan3A_255#3 : vector<16xi32>
        %or3A_258 = arith.ori %or3A, %or3A_257 : vector<16xi32>
        %swap3A_259 = arith.index_cast %rem3A_245 : i32 to index
        %swap3A_260 = arith.constant 0 : index
        %swap3A_261 = tpu.vector_load %arg5[%swap3A_259, %swap3A_260] {strides = array<i32>} : memref<16x16xi32, #tpu.memory_space<vmem>>, vector<1x16xi32>,
        %swap3A_262 = vector.shape_cast %swap3A_261 : vector<1x16xi32> to vector<16xi32>
        %swap3A_263 = vector.shape_cast %or3A_258 : vector<16xi32> to vector<1x16xi32>
        tpu.vector_store %arg5[%swap3A_259, %swap3A_260], %swap3A_263 {strides = array<i32>} : memref<16x16xi32, #tpu.memory_space<vmem>>, vector<1x16xi32>,
      }
      %scan3A_213 = arith.constant 32 : i32
      %lt3A_214 = arith.constant 7 : i32
      %lt3A_215 = arith.cmpi slt, %scan3A_193, %lt3A_214 : i32
      %convert_element_type3A = arith.extui %lt3A_215 : i1 to i32
      %cond3A = arith.constant 0 : i32
      %cond3A_216 = arith.cmpi ne, %convert_element_type3A, %cond3A : i32
      scf.if %cond3A_216 {
        %mul3A_243 = arith.constant 2 : i32
        %mul3A_244 = arith.muli %mul3A_243, %scan3A_193 : i32
        %add3A_245 = arith.constant 2 : i32
        %add3A_246 = arith.addi %mul3A_244, %add3A_245 : i32
        %mul3A_247 = arith.constant 32 : i32
        %mul3A_248 = arith.muli %add3A_246, %mul3A_247 : i32
        %add3A_249 = arith.addi %mul3A_2, %mul3A_248 : i32
        %dma_start3A_250 = arith.constant 0 : i32
        %dma_start3A_251 = arith.constant 0 : i32
        %dma_start3A_252 = arith.constant 0 : i32
        %dma_start3A_253 = tpu.memref_slice %arg4[%dma_start3A_250, %dma_start3A_251, %dma_start3A_252] : memref<2x32x1024xi32, #tpu.memory_space<vmem>> -> memref<1x32x1024xi32, #tpu.memory_space<vmem>>
        %dma_start3A_254 = tpu.memref_squeeze %dma_start3A_253 : memref<1x32x1024xi32, #tpu.memory_space<vmem>> -> memref<32x1024xi32, #tpu.memory_space<vmem>>
        %dma_start3A_255 = arith.constant 0 : i32
        %dma_start3A_256 = tpu.memref_slice %arg2[%add3A_249, %dma_start3A_255] : memref<16384x1024xi32, #tpu.memory_space<hbm>> -> memref<32x1024xi32, #tpu.memory_space<hbm>>
        %dma_start3A_257 = arith.constant 0 : i32
        %dma_start3A_258 = arith.constant 0 : i32
        %dma_start3A_259 = tpu.memref_slice %arg4[%dma_start3A_250, %dma_start3A_257, %dma_start3A_258] : memref<2x32x1024xi32, #tpu.memory_space<vmem>> -> memref<1x32x1024xi32, #tpu.memory_space<vmem>>
        %dma_start3A_260 = tpu.memref_squeeze %dma_start3A_259 : memref<1x32x1024xi32, #tpu.memory_space<vmem>> -> memref<32x1024xi32, #tpu.memory_space<vmem>>
        %dma_start3A_261 = arith.constant 0 : i32
        %dma_start3A_262 = tpu.memref_slice %arg2[%add3A_249, %dma_start3A_261] : memref<16384x1024xi32, #tpu.memory_space<hbm>> -> memref<32x1024xi32, #tpu.memory_space<hbm>>
        tpu.enqueue_dma source(%dma_start3A_262 : memref<32x1024xi32, #tpu.memory_space<hbm>>) target(%dma_start3A_260 : memref<32x1024xi32, #tpu.memory_space<vmem>>) target_semaphore(%arg6 : memref<!tpu.dma_semaphore, #tpu.memory_space<semaphore_mem>>)
      } else {
      }
      %add3A_217 = arith.constant 0 : i32
      %add3A_218 = arith.addi %mul3A_2, %add3A_217 : i32
      %dma_wait3A_219 = arith.constant 1 : i32
      %dma_wait3A_220 = arith.constant 0 : i32
      %dma_wait3A_221 = arith.constant 0 : i32
      %dma_wait3A_222 = tpu.memref_slice %arg4[%dma_wait3A_219, %dma_wait3A_220, %dma_wait3A_221] : memref<2x32x1024xi32, #tpu.memory_space<vmem>> -> memref<1x32x1024xi32, #tpu.memory_space<vmem>>
      %dma_wait3A_223 = tpu.memref_squeeze %dma_wait3A_222 : memref<1x32x1024xi32, #tpu.memory_space<vmem>> -> memref<32x1024xi32, #tpu.memory_space<vmem>>
      %dma_wait3A_224 = arith.constant 0 : i32
      %dma_wait3A_225 = tpu.memref_slice %arg2[%add3A_218, %dma_wait3A_224] : memref<16384x1024xi32, #tpu.memory_space<hbm>> -> memref<32x1024xi32, #tpu.memory_space<hbm>>
      %dma_wait3A_226 = arith.constant 0 : i32
      %dma_wait3A_227 = arith.constant 0 : i32
      %dma_wait3A_228 = tpu.memref_slice %arg4[%dma_wait3A_219, %dma_wait3A_226, %dma_wait3A_227] : memref<2x32x1024xi32, #tpu.memory_space<vmem>> -> memref<1x32x1024xi32, #tpu.memory_space<vmem>>
      %dma_wait3A_229 = tpu.memref_squeeze %dma_wait3A_228 : memref<1x32x1024xi32, #tpu.memory_space<vmem>> -> memref<32x1024xi32, #tpu.memory_space<vmem>>
      %dma_wait3A_230 = arith.constant 0 : i32
      %dma_wait3A_231 = tpu.memref_slice %arg2[%add3A_218, %dma_wait3A_230] : memref<16384x1024xi32, #tpu.memory_space<hbm>> -> memref<32x1024xi32, #tpu.memory_space<hbm>>
      tpu.wait_dma2 semaphore(%arg7 : memref<!tpu.dma_semaphore, #tpu.memory_space<semaphore_mem>>) src(%dma_wait3A_231 : memref<32x1024xi32, #tpu.memory_space<hbm>>) dst(%dma_wait3A_229 : memref<32x1024xi32, #tpu.memory_space<vmem>>)
      %scan3A_232 = arith.constant 0 : i32
      %scan3A_233 = arith.constant 0 : i32
      %scan3A_234 = arith.constant 32 : i32
      %scan3A_235 = arith.addi %scan3A_233, %scan3A_234 : i32
      %scan3A_236 = arith.constant 1 : i32
      scf.for %scan3A_243 = %scan3A_233 to %scan3A_235 step %scan3A_236  : i32 {
        %rem3A_244 = arith.constant 16 : i32
        %rem3A_245 = arith.remsi %scan3A_243, %rem3A_244 : i32
        %get3A = arith.index_cast %rem3A_245 : i32 to index
        %get3A_246 = arith.constant 0 : index
        %get3A_247 = tpu.vector_load %arg5[%get3A, %get3A_246] {strides = array<i32>} : memref<16x16xi32, #tpu.memory_space<vmem>>, vector<1x16xi32>,
        %get3A_248 = vector.shape_cast %get3A_247 : vector<1x16xi32> to vector<16xi32>
        %broadcast_in_dim3A_249 = arith.constant 0 : i32
        %broadcast_in_dim3A_250 = vector.broadcast %broadcast_in_dim3A_249 : i32 to vector<16xi32>
        %scan3A_251 = arith.constant 0 : i32
        %scan3A_252 = arith.constant 8 : i32
        %scan3A_253 = arith.addi %scan3A_251, %scan3A_252 : i32
        %scan3A_254 = arith.constant 1 : i32
        %scan3A_255:4 = scf.for %scan3A_264 = %scan3A_251 to %scan3A_253 step %scan3A_254 iter_args(%scan3A_265 = %get3A_248, %scan3A_266 = %broadcast_in_dim3A_250, %scan3A_267 = %broadcast_in_dim3A_250, %scan3A_268 = %broadcast_in_dim3A_250) -> (vector<16xi32>, vector<16xi32>, vector<16xi32>, vector<16xi32>)  : i32 {
          %mul3A_269 = arith.constant 128 : i32
          %mul3A_270 = arith.muli %scan3A_264, %mul3A_269 : i32
          %add3A_271 = arith.constant 0 : i32
          %add3A_272 = arith.addi %mul3A_270, %add3A_271 : i32
          %get3A_273 = arith.constant 1 : i32
          %get3A_274 = arith.index_cast %get3A_273 : i32 to index
          %get3A_275 = arith.index_cast %scan3A_243 : i32 to index
          %get3A_276 = arith.index_cast %add3A_272 : i32 to index
          %get3A_277 = tpu.vector_load %arg4[%get3A_274, %get3A_275, %get3A_276] {strides = array<i32>} : memref<2x32x1024xi32, #tpu.memory_space<vmem>>, vector<1x1x16xi32>,
          %get3A_278 = vector.shape_cast %get3A_277 : vector<1x1x16xi32> to vector<16xi32>
          %shift_left3A = arith.constant 1 : i32
          %shift_left3A_279 = vector.broadcast %shift_left3A : i32 to vector<16xi32>
          %shift_left3A_280 = arith.shli %shift_left3A_279, %get3A_278 : vector<16xi32>
          %or3A_281 = arith.ori %scan3A_265, %shift_left3A_280 : vector<16xi32>
          %add3A_282 = arith.constant 16 : i32
          %add3A_283 = arith.addi %mul3A_270, %add3A_282 : i32
          %get3A_284 = arith.constant 1 : i32
          %get3A_285 = arith.index_cast %get3A_284 : i32 to index
          %get3A_286 = arith.index_cast %scan3A_243 : i32 to index
          %get3A_287 = arith.index_cast %add3A_283 : i32 to index
          %get3A_288 = tpu.vector_load %arg4[%get3A_285, %get3A_286, %get3A_287] {strides = array<i32>} : memref<2x32x1024xi32, #tpu.memory_space<vmem>>, vector<1x1x16xi32>,
          %get3A_289 = vector.shape_cast %get3A_288 : vector<1x1x16xi32> to vector<16xi32>
          %shift_left3A_290 = arith.constant 1 : i32
          %shift_left3A_291 = vector.broadcast %shift_left3A_290 : i32 to vector<16xi32>
          %shift_left3A_292 = arith.shli %shift_left3A_291, %get3A_289 : vector<16xi32>
          %or3A_293 = arith.ori %scan3A_266, %shift_left3A_292 : vector<16xi32>
          %add3A_294 = arith.constant 32 : i32
          %add3A_295 = arith.addi %mul3A_270, %add3A_294 : i32
          %get3A_296 = arith.constant 1 : i32
          %get3A_297 = arith.index_cast %get3A_296 : i32 to index
          %get3A_298 = arith.index_cast %scan3A_243 : i32 to index
          %get3A_299 = arith.index_cast %add3A_295 : i32 to index
          %get3A_300 = tpu.vector_load %arg4[%get3A_297, %get3A_298, %get3A_299] {strides = array<i32>} : memref<2x32x1024xi32, #tpu.memory_space<vmem>>, vector<1x1x16xi32>,
          %get3A_301 = vector.shape_cast %get3A_300 : vector<1x1x16xi32> to vector<16xi32>
          %shift_left3A_302 = arith.constant 1 : i32
          %shift_left3A_303 = vector.broadcast %shift_left3A_302 : i32 to vector<16xi32>
          %shift_left3A_304 = arith.shli %shift_left3A_303, %get3A_301 : vector<16xi32>
          %or3A_305 = arith.ori %scan3A_267, %shift_left3A_304 : vector<16xi32>
          %add3A_306 = arith.constant 48 : i32
          %add3A_307 = arith.addi %mul3A_270, %add3A_306 : i32
          %get3A_308 = arith.constant 1 : i32
          %get3A_309 = arith.index_cast %get3A_308 : i32 to index
          %get3A_310 = arith.index_cast %scan3A_243 : i32 to index
          %get3A_311 = arith.index_cast %add3A_307 : i32 to index
          %get3A_312 = tpu.vector_load %arg4[%get3A_309, %get3A_310, %get3A_311] {strides = array<i32>} : memref<2x32x1024xi32, #tpu.memory_space<vmem>>, vector<1x1x16xi32>,
          %get3A_313 = vector.shape_cast %get3A_312 : vector<1x1x16xi32> to vector<16xi32>
          %shift_left3A_314 = arith.constant 1 : i32
          %shift_left3A_315 = vector.broadcast %shift_left3A_314 : i32 to vector<16xi32>
          %shift_left3A_316 = arith.shli %shift_left3A_315, %get3A_313 : vector<16xi32>
          %or3A_317 = arith.ori %scan3A_268, %shift_left3A_316 : vector<16xi32>
          %add3A_318 = arith.constant 64 : i32
          %add3A_319 = arith.addi %mul3A_270, %add3A_318 : i32
          %get3A_320 = arith.constant 1 : i32
          %get3A_321 = arith.index_cast %get3A_320 : i32 to index
          %get3A_322 = arith.index_cast %scan3A_243 : i32 to index
          %get3A_323 = arith.index_cast %add3A_319 : i32 to index
          %get3A_324 = tpu.vector_load %arg4[%get3A_321, %get3A_322, %get3A_323] {strides = array<i32>} : memref<2x32x1024xi32, #tpu.memory_space<vmem>>, vector<1x1x16xi32>,
          %get3A_325 = vector.shape_cast %get3A_324 : vector<1x1x16xi32> to vector<16xi32>
          %shift_left3A_326 = arith.constant 1 : i32
          %shift_left3A_327 = vector.broadcast %shift_left3A_326 : i32 to vector<16xi32>
          %shift_left3A_328 = arith.shli %shift_left3A_327, %get3A_325 : vector<16xi32>
          %or3A_329 = arith.ori %or3A_281, %shift_left3A_328 : vector<16xi32>
          %add3A_330 = arith.constant 80 : i32
          %add3A_331 = arith.addi %mul3A_270, %add3A_330 : i32
          %get3A_332 = arith.constant 1 : i32
          %get3A_333 = arith.index_cast %get3A_332 : i32 to index
          %get3A_334 = arith.index_cast %scan3A_243 : i32 to index
          %get3A_335 = arith.index_cast %add3A_331 : i32 to index
          %get3A_336 = tpu.vector_load %arg4[%get3A_333, %get3A_334, %get3A_335] {strides = array<i32>} : memref<2x32x1024xi32, #tpu.memory_space<vmem>>, vector<1x1x16xi32>,
          %get3A_337 = vector.shape_cast %get3A_336 : vector<1x1x16xi32> to vector<16xi32>
          %shift_left3A_338 = arith.constant 1 : i32
          %shift_left3A_339 = vector.broadcast %shift_left3A_338 : i32 to vector<16xi32>
          %shift_left3A_340 = arith.shli %shift_left3A_339, %get3A_337 : vector<16xi32>
          %or3A_341 = arith.ori %or3A_293, %shift_left3A_340 : vector<16xi32>
          %add3A_342 = arith.constant 96 : i32
          %add3A_343 = arith.addi %mul3A_270, %add3A_342 : i32
          %get3A_344 = arith.constant 1 : i32
          %get3A_345 = arith.index_cast %get3A_344 : i32 to index
          %get3A_346 = arith.index_cast %scan3A_243 : i32 to index
          %get3A_347 = arith.index_cast %add3A_343 : i32 to index
          %get3A_348 = tpu.vector_load %arg4[%get3A_345, %get3A_346, %get3A_347] {strides = array<i32>} : memref<2x32x1024xi32, #tpu.memory_space<vmem>>, vector<1x1x16xi32>,
          %get3A_349 = vector.shape_cast %get3A_348 : vector<1x1x16xi32> to vector<16xi32>
          %shift_left3A_350 = arith.constant 1 : i32
          %shift_left3A_351 = vector.broadcast %shift_left3A_350 : i32 to vector<16xi32>
          %shift_left3A_352 = arith.shli %shift_left3A_351, %get3A_349 : vector<16xi32>
          %or3A_353 = arith.ori %or3A_305, %shift_left3A_352 : vector<16xi32>
          %add3A_354 = arith.constant 112 : i32
          %add3A_355 = arith.addi %mul3A_270, %add3A_354 : i32
          %get3A_356 = arith.constant 1 : i32
          %get3A_357 = arith.index_cast %get3A_356 : i32 to index
          %get3A_358 = arith.index_cast %scan3A_243 : i32 to index
          %get3A_359 = arith.index_cast %add3A_355 : i32 to index
          %get3A_360 = tpu.vector_load %arg4[%get3A_357, %get3A_358, %get3A_359] {strides = array<i32>} : memref<2x32x1024xi32, #tpu.memory_space<vmem>>, vector<1x1x16xi32>,
          %get3A_361 = vector.shape_cast %get3A_360 : vector<1x1x16xi32> to vector<16xi32>
          %shift_left3A_362 = arith.constant 1 : i32
          %shift_left3A_363 = vector.broadcast %shift_left3A_362 : i32 to vector<16xi32>
          %shift_left3A_364 = arith.shli %shift_left3A_363, %get3A_361 : vector<16xi32>
          %or3A_365 = arith.ori %or3A_317, %shift_left3A_364 : vector<16xi32>
          scf.yield %or3A_329, %or3A_341, %or3A_353, %or3A_365 : vector<16xi32>, vector<16xi32>, vector<16xi32>, vector<16xi32>
        }
        %scan3A_256 = arith.constant 8 : i32
        %or3A = arith.ori %scan3A_255#0, %scan3A_255#1 : vector<16xi32>
        %or3A_257 = arith.ori %scan3A_255#2, %scan3A_255#3 : vector<16xi32>
        %or3A_258 = arith.ori %or3A, %or3A_257 : vector<16xi32>
        %swap3A_259 = arith.index_cast %rem3A_245 : i32 to index
        %swap3A_260 = arith.constant 0 : index
        %swap3A_261 = tpu.vector_load %arg5[%swap3A_259, %swap3A_260] {strides = array<i32>} : memref<16x16xi32, #tpu.memory_space<vmem>>, vector<1x16xi32>,
        %swap3A_262 = vector.shape_cast %swap3A_261 : vector<1x16xi32> to vector<16xi32>
        %swap3A_263 = vector.shape_cast %or3A_258 : vector<16xi32> to vector<1x16xi32>
        tpu.vector_store %arg5[%swap3A_259, %swap3A_260], %swap3A_263 {strides = array<i32>} : memref<16x16xi32, #tpu.memory_space<vmem>>, vector<1x16xi32>,
      }
      %scan3A_237 = arith.constant 32 : i32
      %lt3A_238 = arith.constant 7 : i32
      %lt3A_239 = arith.cmpi slt, %scan3A_193, %lt3A_238 : i32
      %convert_element_type3A_240 = arith.extui %lt3A_239 : i1 to i32
      %cond3A_241 = arith.constant 0 : i32
      %cond3A_242 = arith.cmpi ne, %convert_element_type3A_240, %cond3A_241 : i32
      scf.if %cond3A_242 {
        %mul3A_243 = arith.constant 2 : i32
        %mul3A_244 = arith.muli %mul3A_243, %scan3A_193 : i32
        %add3A_245 = arith.constant 3 : i32
        %add3A_246 = arith.addi %mul3A_244, %add3A_245 : i32
        %mul3A_247 = arith.constant 32 : i32
        %mul3A_248 = arith.muli %add3A_246, %mul3A_247 : i32
        %add3A_249 = arith.addi %mul3A_2, %mul3A_248 : i32
        %dma_start3A_250 = arith.constant 1 : i32
        %dma_start3A_251 = arith.constant 0 : i32
        %dma_start3A_252 = arith.constant 0 : i32
        %dma_start3A_253 = tpu.memref_slice %arg4[%dma_start3A_250, %dma_start3A_251, %dma_start3A_252] : memref<2x32x1024xi32, #tpu.memory_space<vmem>> -> memref<1x32x1024xi32, #tpu.memory_space<vmem>>
        %dma_start3A_254 = tpu.memref_squeeze %dma_start3A_253 : memref<1x32x1024xi32, #tpu.memory_space<vmem>> -> memref<32x1024xi32, #tpu.memory_space<vmem>>
        %dma_start3A_255 = arith.constant 0 : i32
        %dma_start3A_256 = tpu.memref_slice %arg2[%add3A_249, %dma_start3A_255] : memref<16384x1024xi32, #tpu.memory_space<hbm>> -> memref<32x1024xi32, #tpu.memory_space<hbm>>
        %dma_start3A_257 = arith.constant 0 : i32
        %dma_start3A_258 = arith.constant 0 : i32
        %dma_start3A_259 = tpu.memref_slice %arg4[%dma_start3A_250, %dma_start3A_257, %dma_start3A_258] : memref<2x32x1024xi32, #tpu.memory_space<vmem>> -> memref<1x32x1024xi32, #tpu.memory_space<vmem>>
        %dma_start3A_260 = tpu.memref_squeeze %dma_start3A_259 : memref<1x32x1024xi32, #tpu.memory_space<vmem>> -> memref<32x1024xi32, #tpu.memory_space<vmem>>
        %dma_start3A_261 = arith.constant 0 : i32
        %dma_start3A_262 = tpu.memref_slice %arg2[%add3A_249, %dma_start3A_261] : memref<16384x1024xi32, #tpu.memory_space<hbm>> -> memref<32x1024xi32, #tpu.memory_space<hbm>>
        tpu.enqueue_dma source(%dma_start3A_262 : memref<32x1024xi32, #tpu.memory_space<hbm>>) target(%dma_start3A_260 : memref<32x1024xi32, #tpu.memory_space<vmem>>) target_semaphore(%arg7 : memref<!tpu.dma_semaphore, #tpu.memory_space<semaphore_mem>>)
      } else {
      }
    }
    %scan3A_192 = arith.constant 8 : i32
    "tpu.region"() ({
      %run_scoped3A = tpu.sem_alloc : memref<!tpu.dma_semaphore, #tpu.memory_space<semaphore_mem>>
      %dma_start3A_193 = arith.constant 0 : i32
      %dma_start3A_194 = arith.constant 0 : i32
      %dma_start3A_195 = tpu.memref_slice %arg3[%select_n3A_32, %select_n3A, %dma_start3A_193, %dma_start3A_194] : memref<2x16x16x16xi32, #tpu.memory_space<hbm>> -> memref<1x1x16x16xi32, #tpu.memory_space<hbm>>
      %dma_start3A_196 = tpu.memref_squeeze %dma_start3A_195 : memref<1x1x16x16xi32, #tpu.memory_space<hbm>> -> memref<16x16xi32, #tpu.memory_space<hbm>>
      %dma_start3A_197 = arith.constant 0 : i32
      %dma_start3A_198 = arith.constant 0 : i32
      %dma_start3A_199 = tpu.memref_slice %arg3[%select_n3A_32, %select_n3A, %dma_start3A_197, %dma_start3A_198] : memref<2x16x16x16xi32, #tpu.memory_space<hbm>> -> memref<1x1x16x16xi32, #tpu.memory_space<hbm>>
      %dma_start3A_200 = tpu.memref_squeeze %dma_start3A_199 : memref<1x1x16x16xi32, #tpu.memory_space<hbm>> -> memref<16x16xi32, #tpu.memory_space<hbm>>
      tpu.enqueue_dma source(%arg5 : memref<16x16xi32, #tpu.memory_space<vmem>>) target(%dma_start3A_200 : memref<16x16xi32, #tpu.memory_space<hbm>>) target_semaphore(%run_scoped3A : memref<!tpu.dma_semaphore, #tpu.memory_space<semaphore_mem>>)
      %dma_wait3A = arith.constant 0 : i32
      %dma_wait3A_201 = arith.constant 0 : i32
      %dma_wait3A_202 = tpu.memref_slice %arg3[%select_n3A_32, %select_n3A, %dma_wait3A, %dma_wait3A_201] : memref<2x16x16x16xi32, #tpu.memory_space<hbm>> -> memref<1x1x16x16xi32, #tpu.memory_space<hbm>>
      %dma_wait3A_203 = tpu.memref_squeeze %dma_wait3A_202 : memref<1x1x16x16xi32, #tpu.memory_space<hbm>> -> memref<16x16xi32, #tpu.memory_space<hbm>>
      %dma_wait3A_204 = arith.constant 0 : i32
      %dma_wait3A_205 = arith.constant 0 : i32
      %dma_wait3A_206 = tpu.memref_slice %arg3[%select_n3A_32, %select_n3A, %dma_wait3A_204, %dma_wait3A_205] : memref<2x16x16x16xi32, #tpu.memory_space<hbm>> -> memref<1x1x16x16xi32, #tpu.memory_space<hbm>>
      %dma_wait3A_207 = tpu.memref_squeeze %dma_wait3A_206 : memref<1x1x16x16xi32, #tpu.memory_space<hbm>> -> memref<16x16xi32, #tpu.memory_space<hbm>>
      tpu.wait_dma2 semaphore(%run_scoped3A : memref<!tpu.dma_semaphore, #tpu.memory_space<semaphore_mem>>) src(%arg5 : memref<16x16xi32, #tpu.memory_space<vmem>>) dst(%dma_wait3A_207 : memref<16x16xi32, #tpu.memory_space<hbm>>)
      tpu.yield
    }) : () -> ()
    return
  }
}

module attributes {stable_mosaic.version = 14 : i64} {
  func.func @_bce_body(%arg0: memref<1xi32, #tpu.memory_space<smem>>, %arg1: memref<19x4096xf32, #tpu.memory_space<vmem>>, %arg2: memref<2x4096xi32, #tpu.memory_space<vmem>>, %arg3: memref<1x1xf32, #tpu.memory_space<smem>>) attributes {dimension_semantics = [], scalar_prefetch = 0 : i64, scratch_operands = 0 : i64, tpu.core_type = #tpu.core_type<tc>} {
    %get3A = arith.constant 0 : index
    %get3A_0 = memref.load %arg0[%get3A] : memref<1xi32, #tpu.memory_space<smem>>
    %get3A_1 = arith.constant 0 : index
    %get3A_2 = arith.constant 0 : index
    %get3A_3 = vector.load %arg2[%get3A_1, %get3A_2] : memref<2x4096xi32, #tpu.memory_space<vmem>>, vector<1x4096xi32>
    %get3A_4 = arith.constant 1 : index
    %get3A_5 = arith.constant 0 : index
    %get3A_6 = vector.load %arg2[%get3A_4, %get3A_5] : memref<2x4096xi32, #tpu.memory_space<vmem>>, vector<1x4096xi32>
    %or3A = arith.ori %get3A_3, %get3A_6 : vector<1x4096xi32>
    %max3A = arith.constant 0 : i32
    %max3A_7 = arith.maxsi %get3A_0, %max3A : i32
    %shift_left3A = vector.broadcast %max3A_7 : i32 to vector<1x4096xi32>
    %shift_left3A_8 = arith.shli %or3A, %shift_left3A : vector<1x4096xi32>
    %neg3A = arith.constant 0 : i32
    %neg3A_9 = arith.subi %neg3A, %get3A_0 : i32
    %max3A_10 = arith.constant 0 : i32
    %max3A_11 = arith.maxsi %neg3A_9, %max3A_10 : i32
    %shift_right_logical3A = vector.broadcast %max3A_11 : i32 to vector<1x4096xi32>
    %shift_right_logical3A_12 = arith.shrui %or3A, %shift_right_logical3A : vector<1x4096xi32>
    %ge3A = arith.constant 0 : i32
    %ge3A_13 = arith.cmpi sge, %get3A_0, %ge3A : i32
    %select_n3A = arith.select %ge3A_13, %shift_left3A_8, %shift_right_logical3A_12 : vector<1x4096xi32>
    %iota3A = tpu.iota {dimensions = array<i32: 0>} : vector<19x4096xi32>
    %shift_right_arithmetic3A = vector.broadcast %select_n3A : vector<1x4096xi32> to vector<19x4096xi32>
    %shift_right_arithmetic3A_14 = arith.shrsi %shift_right_arithmetic3A, %iota3A : vector<19x4096xi32>
    %and3A = arith.constant 1 : i32
    %and3A_15 = vector.broadcast %and3A : i32 to vector<19x4096xi32>
    %and3A_16 = arith.andi %shift_right_arithmetic3A_14, %and3A_15 : vector<19x4096xi32>
    %convert_element_type3A = arith.sitofp %and3A_16 : vector<19x4096xi32> to vector<19x4096xf32>
    %get3A_17 = arith.constant 0 : index
    %get3A_18 = arith.constant 0 : index
    %get3A_19 = vector.load %arg1[%get3A_17, %get3A_18] : memref<19x4096xf32, #tpu.memory_space<vmem>>, vector<19x4096xf32>
    %logistic3A = arith.negf %get3A_19 : vector<19x4096xf32>
    %logistic3A_20 = math.exp %logistic3A : vector<19x4096xf32>
    %logistic3A_21 = arith.constant 1.000000e+00 : f32
    %logistic3A_22 = vector.broadcast %logistic3A_21 : f32 to vector<19x4096xf32>
    %logistic3A_23 = arith.addf %logistic3A_22, %logistic3A_20 : vector<19x4096xf32>
    %logistic3A_24 = arith.divf %logistic3A_22, %logistic3A_23 : vector<19x4096xf32>
    %log3A = math.log %logistic3A_24 : vector<19x4096xf32>
    %max3A_25 = arith.constant -1.000000e+02 : f32
    %max3A_26 = vector.broadcast %max3A_25 : f32 to vector<19x4096xf32>
    %max3A_27 = arith.maximumf %log3A, %max3A_26 : vector<19x4096xf32>
    %sub3A = arith.constant 1.000000e+00 : f32
    %sub3A_28 = vector.broadcast %sub3A : f32 to vector<19x4096xf32>
    %sub3A_29 = arith.subf %sub3A_28, %logistic3A_24 : vector<19x4096xf32>
    %log3A_30 = math.log %sub3A_29 : vector<19x4096xf32>
    %max3A_31 = arith.constant -1.000000e+02 : f32
    %max3A_32 = vector.broadcast %max3A_31 : f32 to vector<19x4096xf32>
    %max3A_33 = arith.maximumf %log3A_30, %max3A_32 : vector<19x4096xf32>
    %mul3A = arith.mulf %convert_element_type3A, %max3A_27 : vector<19x4096xf32>
    %sub3A_34 = arith.constant 1.000000e+00 : f32
    %sub3A_35 = vector.broadcast %sub3A_34 : f32 to vector<19x4096xf32>
    %sub3A_36 = arith.subf %sub3A_35, %convert_element_type3A : vector<19x4096xf32>
    %mul3A_37 = arith.mulf %sub3A_36, %max3A_33 : vector<19x4096xf32>
    %add3A = arith.addf %mul3A, %mul3A_37 : vector<19x4096xf32>
    %reduce_sum3A = vector.shape_cast %add3A : vector<19x4096xf32> to vector<1x19x4096xf32>
    %reduce_sum3A_38 = arith.constant dense<0.000000e+00> : vector<1xf32>
    %reduce_sum3A_39 = vector.multi_reduction <add>, %reduce_sum3A, %reduce_sum3A_38 [1, 2] : vector<1x19x4096xf32> to vector<1xf32>
    %reduce_sum3A_40 = vector.shape_cast %reduce_sum3A_39 : vector<1xf32> to vector<1x1x1xf32>
    %reduce_sum3A_41 = vector.extract %reduce_sum3A_40[0, 0, 0] : f32 from vector<1x1x1xf32>
    %neg3A_42 = arith.constant 0.000000e+00 : f32
    %neg3A_43 = arith.subf %neg3A_42, %reduce_sum3A_41 : f32
    %mul3A_44 = arith.constant 1.28495067E-5 : f32
    %mul3A_45 = arith.mulf %neg3A_43, %mul3A_44 : f32
    %swap3A = arith.constant 0 : index
    %swap3A_46 = arith.constant 0 : index
    %swap3A_47 = memref.load %arg3[%swap3A, %swap3A_46] : memref<1x1xf32, #tpu.memory_space<smem>>
    memref.store %mul3A_45, %arg3[%swap3A, %swap3A_46] : memref<1x1xf32, #tpu.memory_space<smem>>
    return
  }
}

</mosaic_0001>

<sc_bundles>
// kernel: kernel.4.cloned.1.call-start
scs
__scs_entry_jumppad:
0x0: {  	(pc) =	sbr.rel $0x88, $3  }
0x1: {  	(tag) =	ssettag $0x0;
	lr =	simm.s32 $0x1  }
0x2: {  	[smem:$0x3F9E] =	sst lr;
	_ =	strace $0xD0000000  }
0x3: {  	_ = 	snop  }
0x4: {  	_ = 	snop  }
0x5: {  	_ = 	snop  }
0x6: {  	_ = 	snop  }
0x7: {  	_ = 	snop  }
__scs_overlays_trampoline_lowered:
0x8: {  	[smem:$0x3FAD] =	sst s0  }
0x9: {  	[smem:$0x3FAE] =	sst s1  }
0xa: {  	[smem:$0x3FAF] =	sst s2  }
0xb: {  	[smem:$0x3FB0] =	sst s3  }
0xc: {  	[smem:$0x3FB1] =	sst s4  }
0xd: {  	[smem:$0x3FB2] =	sst s5  }
0xe: {  	[smem:$0x3FB3] =	sst s6  }
0xf: {  	[smem:$0x3FB4] =	sst s7  }
0x10: {  	[smem:$0x3FB5] =	sst s8  }
0x11: {  	[smem:$0x3FB6] =	sst s9;
	s0 =	simm.s32 @!p0 $0x0  }
0x12: {  	s1 =	sld [smem:$0x3F9C];
	s0 =	simm.s32 @p0 $0x1  }
0x13: {  	[smem:$0x3FB7] =	sst s0;
	s0 =	simm.s32 @!p1 $0x0  }
0x14: {  	s2 =	sld [smem:$0x3F9B];
	s0 =	simm.s32 @p1 $0x1  }
0x15: {  	[smem:$0x3FB8] =	sst s0;
	s0 =	simm.s32 @!p2 $0x0  }
0x16: {  	s3 =	sld [smem:$0x3FDB];
	s0 =	simm.s32 @p2 $0x1  }
0x17: {  	s4 =	simm.s32 $0x1BF5;
	[smem:$0x3FBA] =	sst s0  }
0x18: {  	s0 =	sld [smem:$0x3F9D];
	_ =	swait.ge [sflag:s4], $0x0  }
0x19: {  	s7 =	sld [smem:$0x3F9E]  }
0x1a: {  	s8 =	sadd.s32 $0xFFFFE003, lr  }
0x1b: {  	s9 =	sadd.s32 $0xFFFFFEF7, lr;
	s5 =	simm.s32 $0xFFFFFFFF;
	p2 =	slt.u32 s8, $0xFFFFF086  }
0x1c: {  	p1 =	slt.u32 s9, $0xF7A;
	s5 =	simm.s32 @!p2 $0x0  }
0x1d: {  	s5 =	simm.s32 @p1 $0x1;
	p0 =	seq.s32 s7, s2  }
0x1e: {  	s7 =	smul.u32 @!p0 $0xF7A, s2;
	p2 =	seq.s32 @!p0 s5, $0x0  }
0x1f: {  	s9 =	smul.u32 $0xF7A, s1;
	s8 =	simm.s32 @!p0 $0x1BF5;
	p2 =	por !p2, p0  }
0x20: {  	[sflag:s8] =	ssyncset.s32 @!p0 $0xFFFFF086;
	s6 =	sadd.s32 @!p0 s3, s7;
	s7 =	simm.s32 @!p0 $0x108  }
0x21: {  	s3 =	sadd.s32 s3, s9;
	s6 =	sadd.s32 @!p0 $0x88, s6;
	s7 =	simm.s32 @p2 $0x1082  }
0x22: {  	[simem:s7], [sflag:s8] =	dma.local @!p0 [hbm:s6], $0xF7A  }
0x23: {  	s9 =	sor.u32 $0xD0000000, s2;
	s6 =	simm.s32 $0x108;
	_ =	swait.ge @!p0 [sflag:s8], $0x0  }
0x24: {  	s3 =	sadd.s32 $0x88, s3;
	s6 =	simm.s32 @!p1 $0x1082;
	[sflag:s4] =	ssyncset.s32 $0xFFFFF086  }
0x25: {  	[simem:s6], [sflag:s4] =	dma.local [hbm:s3], $0xF7A  }
0x26: {  	[smem:$0x3F9E] =	sst s1;
	(tag) =	ssettag s2;
	_ =	strace s9  }
0x27: {  	s1 =	sld [smem:$0x3FAE]  }
0x28: {  	s2 =	sld [smem:$0x3FAF]  }
0x29: {  	s4 =	sld [smem:$0x3FB1]  }
0x2a: {  	p0 =	seq.s32 s5, $0x0;
	s5 =	sld [smem:$0x3FB2]  }
0x2b: {  	s6 =	sld [smem:$0x3FB3]  }
0x2c: {  	s7 =	sld [smem:$0x3FB4]  }
0x2d: {  	s3 =	simm.s32 $0x108;
	s8 =	sld [smem:$0x3FB5]  }
0x2e: {  	s3 =	simm.s32 @!p0 $0x1082;
	s9 =	sld [smem:$0x3FB6]  }
0x2f: {  	lr =	sadd.s32 s0, s3;
	s0 =	sld [smem:$0x3FAD]  }
0x30: {  	s3 =	sld [smem:$0x3FB0]  }
0x31: {  	[smem:$0x3FB9] =	sst s10  }
0x32: {  	s10 =	sld [smem:$0x3FB7];
	_ =	sdelay $0x3  }
0x33: {  	p0 =	seq.s32 s10, $0x1;
	s10 =	sld [smem:$0x3FB9];
	_ =	sdelay $0x3  }
0x34: {  	[smem:$0x3FB9] =	sst s10  }
0x35: {  	s10 =	sld [smem:$0x3FB8];
	_ =	sdelay $0x3  }
0x36: {  	p1 =	seq.s32 s10, $0x1;
	s10 =	sld [smem:$0x3FB9];
	_ =	sdelay $0x3  }
0x37: {  	[smem:$0x3FB9] =	sst s10  }
0x38: {  	s10 =	sld [smem:$0x3FBA]  }
0x39: {  	_ = 	snop;
	(pc) =	sbr.ind lr, $3  }
0x3a: {  	_ = 	snop  }
0x3b: {  	_ = 	snop  }
0x3c: {  	p2 =	seq.s32 s10, $0x1;
	s10 =	sld [smem:$0x3FB9]  }
0x3d: {  	_ =	shalt  }
0x3e: {  	_ =	shalt  }
0x3f: {  	_ =	shalt  }
0x40: {  	_ =	shalt  }
0x41: {  	_ =	shalt  }
0x42: {  	_ =	shalt  }
0x43: {  	_ =	shalt  }
0x44: {  	_ =	shalt  }
0x45: {  	_ =	shalt  }
0x46: {  	_ =	shalt  }
0x47: {  	_ =	shalt  }
0x48: {  	_ =	shalt  }
0x49: {  	_ =	shalt  }
0x4a: {  	_ =	shalt  }
0x4b: {  	_ =	shalt  }
0x4c: {  	_ =	shalt  }
0x4d: {  	_ =	shalt  }
0x4e: {  	_ =	shalt  }
0x4f: {  	_ =	shalt  }
0x50: {  	_ =	shalt  }
0x51: {  	_ =	shalt  }
0x52: {  	_ =	shalt  }
0x53: {  	_ =	shalt  }
0x54: {  	_ =	shalt  }
0x55: {  	_ =	shalt  }
0x56: {  	_ =	shalt  }
0x57: {  	_ =	shalt  }
0x58: {  	_ =	shalt  }
0x59: {  	_ =	shalt  }
0x5a: {  	_ =	shalt  }
0x5b: {  	_ =	shalt  }
0x5c: {  	_ =	shalt  }
0x5d: {  	_ =	shalt  }
0x5e: {  	_ =	shalt  }
0x5f: {  	_ =	shalt  }
0x60: {  	_ =	shalt  }
0x61: {  	_ =	shalt  }
0x62: {  	_ =	shalt  }
0x63: {  	_ =	shalt  }
0x64: {  	_ =	shalt  }
0x65: {  	_ =	shalt  }
0x66: {  	_ =	shalt  }
0x67: {  	_ =	shalt  }
0x68: {  	_ =	shalt  }
0x69: {  	_ =	shalt  }
0x6a: {  	_ =	shalt  }
0x6b: {  	_ =	shalt  }
0x6c: {  	_ =	shalt  }
0x6d: {  	_ =	shalt  }
0x6e: {  	_ =	shalt  }
0x6f: {  	_ =	shalt  }
0x70: {  	_ =	shalt  }
0x71: {  	_ =	shalt  }
0x72: {  	_ =	shalt  }
0x73: {  	_ =	shalt  }
0x74: {  	_ =	shalt  }
0x75: {  	_ =	shalt  }
0x76: {  	_ =	shalt  }
0x77: {  	_ =	shalt  }
0x78: {  	_ =	shalt  }
0x79: {  	_ =	shalt  }
0x7a: {  	_ =	shalt  }
0x7b: {  	_ =	shalt  }
0x7c: {  	_ =	shalt  }
0x7d: {  	_ =	shalt  }
0x7e: {  	_ =	shalt  }
0x7f: {  	_ =	shalt  }
0x80: {  	_ =	shalt  }
0x81: {  	_ =	shalt  }
0x82: {  	_ =	shalt  }
0x83: {  	_ =	shalt  }
0x84: {  	_ =	shalt  }
0x85: {  	_ =	shalt  }
0x86: {  	_ =	shalt  }
0x87: {  	_ =	shalt  }
.Lfunc_end0:
.L_simem_size_0:
called_computation_lowered:
.L_overlay_start_0:
0x88: {  	s2 =	sld [smem:$0x3FD9]  }
0x89: {  	s3 =	sld [smem:$0x3FFE];
	_ =	sdelay $0x1  }
0x8a: {  	s1 =	srdreg.scid  }
0x8b: {  	s0 =	sand.u32 $0x1, s1  }
0x8c: {  	s17 =	sshll.u32 s0, $0xA;
	s2 =	sadd.s32 s3, s2  }
0x8d: {  	s2 =	sadd.s32 s2, s17  }
0x8e: {  	[smem:$0x3FC5] =	sst s2  }
0x8f: {  	_ = 	snop  }
0x90: {  	s2 =	sld [smem:$0x3FC8];
	(tm) =	ssettm $0x1  }
0x91: {  	s18 =	sld [smem:$0x3FFB];
	_ =	sdelay $0x3  }
0x92: {  	_ =	strace s18  }
0x93: {  	s3 =	sld [smem:$0x3FFC];
	_ =	sdelay $0x3  }
0x94: {  	_ =	strace s3  }
0x95: {  	s3 =	sld [smem:$0x3FFD];
	_ =	sdelay $0x3  }
0x96: {  	_ =	strace s3  }
0x97: {  	_ =	strace $0x8FFFFFFF  }
0x98: {  	s19 =	sld [smem:$0x3FDB];
	_ =	sdelay $0x1  }
0x99: {  	s4 =	simm.s32 $_scs_section_size  }
0x9a: {  	s5 =	simm.s32 $_size__tile_overlayer_lowered;
	s6 =	simm.s32 $_tile_overlayer_lowered  }
0x9b: {  	s22 =	simm.s32 $0x1BFF;
	s21 =	sshll.u32 s6, $0x1;
	s3 =	sadd.s32 s4, s19  }
0x9c: {  	s7 =	simm.s32 $0x0;
	s20 =	sshll.u32 s5, $0x1;
	s5 =	sadd.s32 s21, s3  }
0x9d: {  	[timem:s7], [sflag:s22] =	dma.local [hbm:s5], s20  }
0x9e: {  	_ =	swait.ge [sflag:s22], s20  }
0x9f: {  	s4 =	ssub.s32 $0x0, s20;
	[sflag:s22] =	ssyncset.done $0x0  }
0xa0: {  	[sflag:s22] =	ssyncadd.s32 s4;
	_ =	sdelay $0x1  }
0xa1: {  	s23 =	simm.s32 $0x1B8B  }
0xa2: {  	_ =	swait.ge [sflag:s23], $0x1  }
0xa3: {  	[sflag:s23] =	ssyncset.done $0x0  }
0xa4: {  	s25 =	simm.s32 $0x1B8E;
	s24 =	sld [smem:$0x3FFE];
	[sflag:s23] =	ssyncadd.s32 $0xFFFFFFFF  }
0xa5: {  	s26 =	simm.s32 $execute0_lowered;
	[smem:$0x3FD2] =	sst s25  }
0xa6: {  	s5 =	sshll.u32 s26, $0x1;
	_ =	strace $0x80000046;
	[dreg:$0x1] =	wrdreg $0xFFFFFFFF  }
0xa7: {  	s28 =	simm.s32 $_size_execute0_lowered;
	s3 =	sadd.s32 s3, s5;
	[dreg:$0x0] =	wrdreg $0x0  }
0xa8: {  	s5 =	sshll.u32 s28, $0x1;
	[dreg:$0x2] =	wrdreg s3  }
0xa9: {  	[dreg:$0x3] =	wrdreg s5  }
0xaa: {  	[dreg:$0x4] =	wrdreg $0xC0  }
0xab: {  	_ =	task [dreg:s7], $0x5FFFF  }
0xac: {  	[dreg:$0x1] =	wrdreg $0xFFFFFFFF  }
0xad: {  	[dreg:$0x0] =	wrdreg $0x60  }
0xae: {  	[dreg:$0x2] =	wrdreg s2  }
0xaf: {  	[dreg:$0x3] =	wrdreg s24  }
0xb0: {  	[dreg:$0x4] =	wrdreg $0x9  }
0xb1: {  	_ =	task.clear_ibuf [dreg:s7], $0x5FFFF;
	_ =	strace $0x90000046  }
0xb2: {  	s29 =	simm.s32 $0x9;
	_ =	strace $0x80000048  }
0xb3: {  	_ =	swait.ge [sflag:s29], $0x1  }
0xb4: {  	[sflag:s29] =	ssyncadd.s32 $0xFFFFFFFF  }
0xb5: {  	_ =	strace $0x90000048  }
0xb6: {  	_ =	sfence  }
0xb7: {  	s30 =	sld [smem:$0x0];
	_ =	sdelay $0x2  }
0xb8: {  	s31 =	sshll.u32 s1, $0xD;
	s1 =	sshrl.u32 s1, $0x2  }
0xb9: {  	s3 =	sand.u32 $0x4000, s31;
	s1 =	sadd.s32 s1, s30  }
0xba: {  	s0 =	sor.u32 s3, s0;
	s1 =	sshll.u32 s1, $0x11  }
0xbb: {  	s0 =	sor.u32 s1, s0  }
0xbc: {  	s0 =	sadd.s32 $0x8F2B, s0  }
0xbd: {  	[sflag:s0] =	ssyncadd.remote.s32 $0x1  }
0xbe: {  	_ =	sfence.sel $0xFFFF  }
0xbf: {  	[dreg:$0x0] =	wrdreg $0xFFFFFFFF;
	(pc) =	sbr.abs _section_cstart, $3  }
0xc0: {  	[dreg:$0x1] =	wrdreg $0xFFFFFFFF  }
0xc1: {  	_ =	task.clear_ibuf [dreg:s7], $0x2FFFF;
	_ =	strace $0x9FFFFFFF  }
0xc2: {  	(tm) =	ssettm $0x7FFFFFFF  }
0xc3: {  	_ =	shalt  }
tec
execute0_lowered:
.L_overlay_start_1:
0x0: {  	(tag) =	ssettag $0x1  }
0x1: {  	s1 =	srdreg.scid;
	s5 =	rddreg [dreg:$0x0]  }
0x2: {  	s0 =	stileid.u32;
	s7 =	rddreg [dreg:$0x1]  }
0x3: {  	s2 =	simm.s32 $0x0;
	s4 =	sand.u32 $0x1, s1;
	s25 =	sshll.u32 s0, $0x1  }
0x4: {  	s3 =	simm.s32 $0x1;
	s10 =	simm.s32 $0x8000;
	s6 =	sor.u32 s4, s25  }
0x5: {  	s11 =	simm.s32 $0x2;
	p1 =	seq.s32 s4, $0x1;
	p0 =	seq.s32 s6, $0x0  }
0x6: {  	s12 =	simm.s32 $0x10000;
	s13 =	simm.s32 $0x3;
	p0 =	por !p0, !p1  }
0x7: {  	s14 =	simm.s32 $0x0;
	[smem:$0x7FF] =	sst s2;
	p0 =	por !p0, !p0  }
0x8: {  	s1 =	rddreg [dreg:$0x2];
	_ =	strace $0x80000047;
	s3 =	simm.s32 @!p0 $0x0  }
0x9: {  	s9 =	sshll.u32 s4, $0xF;
	s26 =	ssub.s32 $0x2, s4;
	s8 =	ssub.s32 s0, s3  }
.Ltmp0:
0xa: {  	s28 =	sshll.u32 s6, $0x10;
	s8 =	sshll.u32 s8, $0xB;
	(pc) =	sbr.rel .LBB2_1-.Ltmp0, $4  }
0xb: {  	s30 =	sshrl.u32 s26, $0x1;
	s4 =	sadd.s32 s5, s28;
	s8 =	sadd.s32 s9, s8  }
0xc: {  	s31 =	ssub.s32 s26, s30;
	s5 =	sadd.s32 $0x1000, s4;
	s29 =	sshrl.u32 s8, $0x3  }
0xd: {  	s3 =	simm.s32 $0x1;
	s9 =	sadd.s32 $0x3000, s4;
	s6 =	sadd.s32 s29, s7  }
0xe: {  	v0 =	vimm.s32 $0x0;
	v1 =	vimm.s32 $0x1;
	s8 =	sadd.s32 $0x2000, s4;
	s7 =	smax.u32 s31, $0x1;
	s6 =	sadd.s32 $0x600, s6  }
.LBB2_8:
0xf: {  	s14 =	sadd.s32 $0x1, s14  }
0x10: {  	p0 =	sne.s32 s14, s7  }
.Ltmp1:
0x11: {  	_ = 	snop;
	(pc) =	sbr.rel @!p0 .LBB2_9-.Ltmp1, $4  }
0x12: {  	[hbm4b:s6+s2] =	stream.linear.scatter [tilespmem:s12], [sflag:$0x3], $0x800, $0x38;
	[tilespmem:$0x10800] =	vst v63  }
0x13: {  	_ =	swait.ge [sflag:s13], $0x800  }
0x14: {  	[sflag:s13] =	ssyncset.done $0x0  }
0x15: {  	[sflag:s13] =	ssyncadd.s32 $0xFFFFF800  }
.LBB2_1:
0x16: {  	[tilespmem:s2], [sflag:$0x1] =	stream.linear.gather [hbm4b:s4+s2], $0x8000, $0x38;
	[tilespmem:$0x10800] =	vst v63  }
0x17: {  	_ = 	snop  }
0x18: {  	[tilespmem:s10], [sflag:$0x2] =	stream.linear.gather [hbm4b:s5+s2], $0x8000, $0x38;
	[tilespmem:$0x10800] =	vst v63  }
0x19: {  	[tilespmem:$0x10000] =	vst v0  }
0x1a: {  	[tilespmem:$0x10080] =	vst v0  }
0x1b: {  	[tilespmem:$0x10100] =	vst v0  }
0x1c: {  	[tilespmem:$0x10180] =	vst v0  }
0x1d: {  	[tilespmem:$0x10200] =	vst v0  }
0x1e: {  	[tilespmem:$0x10280] =	vst v0  }
0x1f: {  	[tilespmem:$0x10300] =	vst v0  }
0x20: {  	[tilespmem:$0x10380] =	vst v0  }
0x21: {  	[tilespmem:$0x10400] =	vst v0  }
0x22: {  	[tilespmem:$0x10480] =	vst v0  }
0x23: {  	[tilespmem:$0x10500] =	vst v0  }
0x24: {  	[tilespmem:$0x10580] =	vst v0  }
0x25: {  	[tilespmem:$0x10600] =	vst v0  }
0x26: {  	[tilespmem:$0x10680] =	vst v0  }
0x27: {  	[tilespmem:$0x10700] =	vst v0  }
0x28: {  	s15 =	simm.s32 $0x0;
	[tilespmem:$0x10780] =	vst v0  }
.LBB2_2:
0x29: {  	_ =	swait.ge [sflag:s3], $0x8000;
	s16 =	simm.s32 $0x0  }
0x2a: {  	[sflag:s3] =	ssyncset.done $0x0;
	s17 =	sand.u32 $0x6000, s16;
	s18 =	sand.u32 $0x380, s16  }
0x2b: {  	[sflag:s3] =	ssyncadd.s32 $0xFFFF8000;
	s17 =	sor.u32 s18, s17  }
0x2c: {  	v2 =	vld [tilespmem:s17+$0x1C70]  }
0x2d: {  	v3 =	vld [tilespmem:s17+$0x1C30]  }
0x2e: {  	v4 =	vld [tilespmem:s17+$0x1C60]  }
0x2f: {  	v5 =	vld [tilespmem:s17+$0x1870]  }
0x30: {  	v6 =	vld [tilespmem:s17+$0x1C20]  }
0x31: {  	v7 =	vld [tilespmem:s17+$0x1C40]  }
0x32: {  	v8 =	vld [tilespmem:s17+$0x1C50]  }
0x33: {  	v9 =	vld [tilespmem:s17+$0x1830]  }
0x34: {  	v10 =	vld [tilespmem:s17+$0x1860]  }
0x35: {  	v11 =	vld [tilespmem:s17+$0x1C00]  }
0x36: {  	v12 =	vld [tilespmem:s17+$0x1C10]  }
0x37: {  	v13 =	vld [tilespmem:s17+$0x1470]  }
0x38: {  	v14 =	vld [tilespmem:s17+$0x1820]  }
0x39: {  	v15 =	vld [tilespmem:s17+$0x1840]  }
0x3a: {  	v16 =	vld [tilespmem:s17+$0x1850]  }
0x3b: {  	v17 =	vld [tilespmem:s17+$0x1430]  }
0x3c: {  	v18 =	vld [tilespmem:s17+$0x1460]  }
0x3d: {  	v19 =	vld [tilespmem:s17+$0x1800]  }
0x3e: {  	v20 =	vld [tilespmem:s17+$0x1810]  }
0x3f: {  	v21 =	vld [tilespmem:s17+$0x1070]  }
0x40: {  	v22 =	vld [tilespmem:s17+$0x1420]  }
0x41: {  	v24 =	vld [tilespmem:s17+$0x1440]  }
0x42: {  	v27 =	vld [tilespmem:s17+$0x1450]  }
0x43: {  	v30 =	vld [tilespmem:s17+$0x1030]  }
0x44: {  	v33 =	vld [tilespmem:s17+$0x1060]  }
0x45: {  	v34 =	vld [tilespmem:s17+$0x1400]  }
0x46: {  	v35 =	vld [tilespmem:s17+$0x1410]  }
0x47: {  	v38 =	vld [tilespmem:s17+$0xC70]  }
0x48: {  	v41 =	vld [tilespmem:s17+$0x1020]  }
0x49: {  	v43 =	vld [tilespmem:s17+$0x1040]  }
0x4a: {  	v46 =	vld [tilespmem:s17+$0x1050]  }
0x4b: {  	v51 =	vld [tilespmem:s17+$0xC30]  }
0x4c: {  	v52 =	vld [tilespmem:s17+$0xC60]  }
0x4d: {  	v53 =	vld [tilespmem:s17+$0x1000]  }
0x4e: {  	v54 =	vld [tilespmem:s17+$0x1010]  }
0x4f: {  	v50 =	vld [tilespmem:s17+$0x870]  }
0x50: {  	v55 =	vld [tilespmem:s17+$0xC20]  }
0x51: {  	v56 =	vld [tilespmem:s17+$0xC40]  }
0x52: {  	v57 =	vld [tilespmem:s17+$0xC50]  }
0x53: {  	v49 =	vld [tilespmem:s17+$0x830]  }
0x54: {  	v58 =	vld [tilespmem:s17+$0x860]  }
0x55: {  	v26 =	vld [tilespmem:s17+$0xC00]  }
0x56: {  	v28 =	vld [tilespmem:s17+$0xC10]  }
0x57: {  	v48 =	vld [tilespmem:s17+$0x470];
	v3 =	vshll.u32 v1, v3;
	v2 =	vshll.u32 v1, v2  }
0x58: {  	v29 =	vld [tilespmem:s17+$0x820];
	v23 =	vshll.u32 v1, v5;
	v5 =	vshll.u32 v1, v6;
	v4 =	vshll.u32 v1, v4  }
0x59: {  	v31 =	vld [tilespmem:s17+$0x840];
	v25 =	vshll.u32 v1, v9;
	v6 =	vshll.u32 v1, v7;
	v7 =	vshll.u32 v1, v8  }
0x5a: {  	v44 =	vld [tilespmem:s17+$0x30];
	v8 =	vshll.u32 v1, v10;
	v9 =	vshll.u32 v1, v11;
	v10 =	vshll.u32 v1, v12  }
0x5b: {  	v45 =	vld [tilespmem:s17+$0x70];
	v32 =	vshll.u32 v1, v13;
	v11 =	vshll.u32 v1, v14;
	v12 =	vshll.u32 v1, v15  }
0x5c: {  	v47 =	vld [tilespmem:s17+$0x430];
	v36 =	vshll.u32 v1, v17;
	v14 =	vshll.u32 v1, v18;
	v13 =	vshll.u32 v1, v16  }
0x5d: {  	v37 =	vld [tilespmem:s17+$0x850];
	v42 =	vshll.u32 v1, v21;
	v15 =	vshll.u32 v1, v19;
	v16 =	vshll.u32 v1, v20  }
0x5e: {  	v39 =	vld [tilespmem:s17+$0x460];
	v17 =	vshll.u32 v1, v22;
	v18 =	vshll.u32 v1, v24;
	v19 =	vshll.u32 v1, v27  }
0x5f: {  	v40 =	vld [tilespmem:s17+$0x800];
	v59 =	vshll.u32 v1, v30;
	v20 =	vshll.u32 v1, v33;
	v21 =	vshll.u32 v1, v34  }
0x60: {  	v24 =	vshll.u32 v1, v44;
	v27 =	vshll.u32 v1, v45;
	v44 =	vld [tilespmem:s17+$0x810];
	v22 =	vshll.u32 v1, v35  }
0x61: {  	v45 =	vld [tilespmem:s17+$0x420];
	v60 =	vshll.u32 v1, v38;
	v24 =	vor.u32 v27, v24;
	v27 =	vshll.u32 v1, v47  }
0x62: {  	v30 =	vshll.u32 v1, v48;
	v48 =	vld [tilespmem:s17+$0x450];
	v61 =	vshll.u32 v1, v51;
	v27 =	vor.u32 v24, v27  }
0x63: {  	v51 =	vld [tilespmem:s17+$0x400];
	v24 =	vshll.u32 v1, v41;
	v41 =	vshll.u32 v1, v49;
	v30 =	vor.u32 v30, v27  }
0x64: {  	v47 =	vld [tilespmem:s17+$0x440];
	v27 =	vshll.u32 v1, v43;
	v43 =	vshll.u32 v1, v50;
	v33 =	vor.u32 v30, v41  }
0x65: {  	v35 =	vshll.u32 v1, v54;
	v38 =	vshll.u32 v1, v55;
	v49 =	vld [tilespmem:s17+$0x20];
	v34 =	vor.u32 v43, v33  }
0x66: {  	s31 =	sand.u32 $0x1E00, s16;
	v50 =	vld [tilespmem:s17+$0x60];
	v30 =	vshll.u32 v1, v46;
	v41 =	vshll.u32 v1, v56;
	v62 =	vor.u32 v34, v61  }
0x67: {  	s20 =	sshrl.u32 s31, $0x2;
	v46 =	vshll.u32 v1, v58;
	v33 =	vshll.u32 v1, v52;
	v52 =	vld [tilespmem:s17+$0x40];
	v63 =	vor.u32 v60, v62  }
0x68: {  	s19 =	simm.s32 $0x0;
	s18 =	simm.s32 $0x200;
	v43 =	vshll.u32 v1, v57;
	v34 =	vshll.u32 v1, v53;
	v53 =	vld [tilespmem:s20+$0x10000];
	v54 =	vor.u32 v63, v59  }
.LBB2_3:
0x69: {  	p0 =	sne.s32 s18, $0x3E00;
	v55 =	vld [tilespmem:s17+$0x10];
	v26 =	vshll.u32 v1, v26;
	v28 =	vshll.u32 v1, v28;
	v42 =	vor.u32 v42, v54  }
0x6a: {  	v29 =	vshll.u32 v1, v29;
	v31 =	vshll.u32 v1, v31;
	v54 =	vld [tilespmem:s17+$0x0];
	v36 =	vor.u32 v42, v36  }
0x6b: {  	v39 =	vshll.u32 v1, v39;
	v37 =	vshll.u32 v1, v37;
	v42 =	vld [tilespmem:s17+$0x50];
	v32 =	vor.u32 v32, v36  }
0x6c: {  	v40 =	vshll.u32 v1, v40;
	v44 =	vshll.u32 v1, v44;
	v36 =	vld [tilespmem:s17+$0x410];
	v25 =	vor.u32 v32, v25  }
0x6d: {  	v32 =	vshll.u32 v1, v45;
	v45 =	vshll.u32 v1, v47;
	v23 =	vor.u32 v23, v25  }
0x6e: {  	v48 =	vshll.u32 v1, v48;
	v47 =	vshll.u32 v1, v50;
	v25 =	vshll.u32 v1, v49  }
0x6f: {  	v51 =	vshll.u32 v1, v51;
	v50 =	vshll.u32 v1, v52;
	v49 =	vshll.u32 v1, v54  }
0x70: {  	v52 =	vshll.u32 v1, v55;
	v49 =	vor.u32 v53, v49;
	v42 =	vshll.u32 v1, v42  }
0x71: {  	v49 =	vor.u32 v50, v49;
	v42 =	vor.u32 v42, v52;
	v36 =	vshll.u32 v1, v36  }
0x72: {  	v25 =	vor.u32 v47, v25;
	v47 =	vor.u32 v49, v51;
	v36 =	vor.u32 v42, v36  }
0x73: {  	v25 =	vor.u32 v25, v32;
	v42 =	vor.u32 v45, v47;
	v36 =	vor.u32 v48, v36  }
0x74: {  	v25 =	vor.u32 v39, v25;
	v32 =	vor.u32 v42, v40;
	v36 =	vor.u32 v36, v44  }
0x75: {  	v25 =	vor.u32 v25, v29;
	v31 =	vor.u32 v31, v32;
	v32 =	vor.u32 v37, v36  }
0x76: {  	v25 =	vor.u32 v46, v25;
	v26 =	vor.u32 v31, v26;
	v28 =	vor.u32 v32, v28  }
0x77: {  	v25 =	vor.u32 v25, v38;
	v26 =	vor.u32 v41, v26;
	v28 =	vor.u32 v43, v28  }
0x78: {  	v25 =	vor.u32 v33, v25;
	v26 =	vor.u32 v26, v34;
	v28 =	vor.u32 v28, v35  }
0x79: {  	v24 =	vor.u32 v25, v24;
	v26 =	vor.u32 v27, v26;
	v27 =	vor.u32 v30, v28  }
0x7a: {  	v20 =	vor.u32 v20, v24;
	v21 =	vor.u32 v26, v21;
	v22 =	vor.u32 v27, v22  }
0x7b: {  	v17 =	vor.u32 v20, v17;
	v18 =	vor.u32 v18, v21;
	v19 =	vor.u32 v19, v22  }
0x7c: {  	v14 =	vor.u32 v14, v17;
	v15 =	vor.u32 v18, v15;
	v16 =	vor.u32 v19, v16  }
0x7d: {  	v11 =	vor.u32 v14, v11;
	v12 =	vor.u32 v12, v15;
	v13 =	vor.u32 v13, v16  }
0x7e: {  	v8 =	vor.u32 v8, v11;
	v9 =	vor.u32 v12, v9;
	v10 =	vor.u32 v13, v10  }
0x7f: {  	v5 =	vor.u32 v8, v5;
	v6 =	vor.u32 v6, v9;
	v7 =	vor.u32 v7, v10  }
0x80: {  	v3 =	vor.u32 v23, v3;
	v4 =	vor.u32 v4, v5;
	v5 =	vor.u32 v6, v7  }
0x81: {  	s16 =	sadd.s32 $0x80, s16;
	s19 =	sadd.s32 $0x400, s19;
	v2 =	vor.u32 v2, v3;
	v3 =	vor.u32 v4, v5  }
0x82: {  	s21 =	sand.u32 $0x380, s16;
	s17 =	sand.u32 $0x6000, s19;
	v2 =	vor.u32 v2, v3  }
0x83: {  	s17 =	sor.u32 s21, s17;
	[tilespmem:s20+$0x10000] =	vst v2  }
0x84: {  	v2 =	vld [tilespmem:s17+$0x1C70]  }
0x85: {  	v3 =	vld [tilespmem:s17+$0x1C30]  }
0x86: {  	v4 =	vld [tilespmem:s17+$0x1C60]  }
0x87: {  	v5 =	vld [tilespmem:s17+$0x1870]  }
0x88: {  	v6 =	vld [tilespmem:s17+$0x1C20]  }
0x89: {  	v7 =	vld [tilespmem:s17+$0x1C40]  }
0x8a: {  	v8 =	vld [tilespmem:s17+$0x1C50]  }
0x8b: {  	v9 =	vld [tilespmem:s17+$0x1830]  }
0x8c: {  	v10 =	vld [tilespmem:s17+$0x1860]  }
0x8d: {  	v11 =	vld [tilespmem:s17+$0x1C00]  }
0x8e: {  	v12 =	vld [tilespmem:s17+$0x1C10]  }
0x8f: {  	v13 =	vld [tilespmem:s17+$0x1470]  }
0x90: {  	v14 =	vld [tilespmem:s17+$0x1820]  }
0x91: {  	v15 =	vld [tilespmem:s17+$0x1840]  }
0x92: {  	v16 =	vld [tilespmem:s17+$0x1850]  }
0x93: {  	v17 =	vld [tilespmem:s17+$0x1430]  }
0x94: {  	v18 =	vld [tilespmem:s17+$0x1460]  }
0x95: {  	v19 =	vld [tilespmem:s17+$0x1800]  }
0x96: {  	v20 =	vld [tilespmem:s17+$0x1810]  }
0x97: {  	v21 =	vld [tilespmem:s17+$0x1070]  }
0x98: {  	v22 =	vld [tilespmem:s17+$0x1420]  }
0x99: {  	v24 =	vld [tilespmem:s17+$0x1440]  }
0x9a: {  	v27 =	vld [tilespmem:s17+$0x1450]  }
0x9b: {  	v30 =	vld [tilespmem:s17+$0x1030]  }
0x9c: {  	v33 =	vld [tilespmem:s17+$0x1060]  }
0x9d: {  	v34 =	vld [tilespmem:s17+$0x1400]  }
0x9e: {  	v35 =	vld [tilespmem:s17+$0x1410]  }
0x9f: {  	v38 =	vld [tilespmem:s17+$0xC70]  }
0xa0: {  	v41 =	vld [tilespmem:s17+$0x1020]  }
0xa1: {  	v43 =	vld [tilespmem:s17+$0x1040]  }
0xa2: {  	v46 =	vld [tilespmem:s17+$0x1050]  }
0xa3: {  	v51 =	vld [tilespmem:s17+$0xC30]  }
0xa4: {  	v52 =	vld [tilespmem:s17+$0xC60]  }
0xa5: {  	v53 =	vld [tilespmem:s17+$0x1000]  }
0xa6: {  	v54 =	vld [tilespmem:s17+$0x1010]  }
0xa7: {  	v50 =	vld [tilespmem:s17+$0x870]  }
0xa8: {  	v55 =	vld [tilespmem:s17+$0xC20]  }
0xa9: {  	v56 =	vld [tilespmem:s17+$0xC40]  }
0xaa: {  	v57 =	vld [tilespmem:s17+$0xC50]  }
0xab: {  	v49 =	vld [tilespmem:s17+$0x830]  }
0xac: {  	v58 =	vld [tilespmem:s17+$0x860]  }
0xad: {  	v26 =	vld [tilespmem:s17+$0xC00]  }
0xae: {  	v28 =	vld [tilespmem:s17+$0xC10]  }
0xaf: {  	v2 =	vshll.u32 v1, v2;
	v3 =	vshll.u32 v1, v3;
	v48 =	vld [tilespmem:s17+$0x470]  }
0xb0: {  	v4 =	vshll.u32 v1, v4;
	v23 =	vshll.u32 v1, v5;
	v5 =	vshll.u32 v1, v6;
	v29 =	vld [tilespmem:s17+$0x820]  }
0xb1: {  	v6 =	vshll.u32 v1, v7;
	v7 =	vshll.u32 v1, v8;
	v25 =	vshll.u32 v1, v9;
	v31 =	vld [tilespmem:s17+$0x840]  }
0xb2: {  	v8 =	vshll.u32 v1, v10;
	v9 =	vshll.u32 v1, v11;
	v10 =	vshll.u32 v1, v12;
	v44 =	vld [tilespmem:s17+$0x30]  }
0xb3: {  	v32 =	vshll.u32 v1, v13;
	v11 =	vshll.u32 v1, v14;
	v12 =	vshll.u32 v1, v15;
	v45 =	vld [tilespmem:s17+$0x70]  }
0xb4: {  	v13 =	vshll.u32 v1, v16;
	v36 =	vshll.u32 v1, v17;
	v14 =	vshll.u32 v1, v18;
	v47 =	vld [tilespmem:s17+$0x430]  }
0xb5: {  	v15 =	vshll.u32 v1, v19;
	v16 =	vshll.u32 v1, v20;
	v42 =	vshll.u32 v1, v21;
	v37 =	vld [tilespmem:s17+$0x850]  }
0xb6: {  	v17 =	vshll.u32 v1, v22;
	v18 =	vshll.u32 v1, v24;
	v19 =	vshll.u32 v1, v27;
	v39 =	vld [tilespmem:s17+$0x460]  }
0xb7: {  	v59 =	vshll.u32 v1, v30;
	v20 =	vshll.u32 v1, v33;
	v21 =	vshll.u32 v1, v34;
	v40 =	vld [tilespmem:s17+$0x800]  }
0xb8: {  	v22 =	vshll.u32 v1, v35;
	v24 =	vshll.u32 v1, v44;
	v27 =	vshll.u32 v1, v45;
	v44 =	vld [tilespmem:s17+$0x810]  }
0xb9: {  	v60 =	vshll.u32 v1, v38;
	v24 =	vor.u32 v27, v24;
	v45 =	vld [tilespmem:s17+$0x420];
	v27 =	vshll.u32 v1, v47  }
0xba: {  	v30 =	vshll.u32 v1, v48;
	v47 =	vld [tilespmem:s17+$0x440];
	v27 =	vor.u32 v24, v27;
	v24 =	vshll.u32 v1, v41  }
0xbb: {  	v33 =	vshll.u32 v1, v49;
	v48 =	vld [tilespmem:s17+$0x450];
	v30 =	vor.u32 v30, v27;
	v27 =	vshll.u32 v1, v43  }
.Ltmp2:
0xbc: {  	v34 =	vshll.u32 v1, v50;
	v49 =	vld [tilespmem:s17+$0x20];
	v33 =	vor.u32 v30, v33;
	v30 =	vshll.u32 v1, v46;
	(pc) =	sbr.rel @p0 .LBB2_3-.Ltmp2, $4  }
0xbd: {  	v35 =	vshll.u32 v1, v51;
	v50 =	vld [tilespmem:s17+$0x60];
	v34 =	vor.u32 v34, v33;
	v33 =	vshll.u32 v1, v52  }
0xbe: {  	s20 =	sand.u32 $0x1E00, s18;
	v51 =	vld [tilespmem:s17+$0x400];
	v43 =	vor.u32 v34, v35;
	v34 =	vshll.u32 v1, v53;
	v35 =	vshll.u32 v1, v54  }
0xbf: {  	s20 =	sshrl.u32 s20, $0x2;
	v38 =	vshll.u32 v1, v55;
	v41 =	vshll.u32 v1, v56;
	v52 =	vld [tilespmem:s17+$0x40];
	v54 =	vor.u32 v60, v43  }
0xc0: {  	s18 =	sadd.s32 $0x200, s18;
	v46 =	vshll.u32 v1, v58;
	v43 =	vshll.u32 v1, v57;
	v53 =	vld [tilespmem:s20+$0x10000];
	v54 =	vor.u32 v54, v59  }
0xc1: {  	v55 =	vld [tilespmem:s17+$0x10];
	v26 =	vshll.u32 v1, v26;
	v28 =	vshll.u32 v1, v28;
	v42 =	vor.u32 v42, v54  }
0xc2: {  	v63 =	vld [tilespmem:s17+$0x0];
	v29 =	vshll.u32 v1, v29;
	v31 =	vshll.u32 v1, v31;
	v39 =	vshll.u32 v1, v39  }
0xc3: {  	v56 =	vld [tilespmem:s17+$0x50];
	v37 =	vshll.u32 v1, v37;
	v40 =	vshll.u32 v1, v40;
	v44 =	vshll.u32 v1, v44  }
0xc4: {  	v57 =	vld [tilespmem:s17+$0x410];
	v58 =	vshll.u32 v1, v45;
	v59 =	vshll.u32 v1, v47;
	v36 =	vor.u32 v42, v36  }
0xc5: {  	v48 =	vshll.u32 v1, v48;
	v60 =	vshll.u32 v1, v50;
	v32 =	vor.u32 v32, v36  }
0xc6: {  	v51 =	vshll.u32 v1, v51;
	v25 =	vor.u32 v32, v25;
	v62 =	vshll.u32 v1, v52  }
0xc7: {  	v23 =	vor.u32 v23, v25;
	v25 =	vshll.u32 v1, v49;
	v61 =	vshll.u32 v1, v63  }
0xc8: {  	v63 =	vshll.u32 v1, v55;
	v42 =	vshll.u32 v1, v56;
	v49 =	vor.u32 v53, v61  }
0xc9: {  	v36 =	vshll.u32 v1, v57;
	v42 =	vor.u32 v42, v63;
	v49 =	vor.u32 v62, v49  }
0xca: {  	v25 =	vor.u32 v60, v25;
	v36 =	vor.u32 v42, v36;
	v56 =	vor.u32 v49, v51  }
0xcb: {  	v25 =	vor.u32 v25, v58;
	v36 =	vor.u32 v48, v36;
	v57 =	vor.u32 v59, v56  }
0xcc: {  	v25 =	vor.u32 v39, v25;
	v36 =	vor.u32 v36, v44;
	v58 =	vor.u32 v57, v40  }
0xcd: {  	v25 =	vor.u32 v25, v29;
	v59 =	vor.u32 v37, v36;
	v31 =	vor.u32 v31, v58  }
0xce: {  	v25 =	vor.u32 v46, v25;
	v28 =	vor.u32 v59, v28;
	v26 =	vor.u32 v31, v26  }
0xcf: {  	v25 =	vor.u32 v25, v38;
	v28 =	vor.u32 v43, v28;
	v26 =	vor.u32 v41, v26  }
0xd0: {  	v25 =	vor.u32 v33, v25;
	v28 =	vor.u32 v28, v35;
	v26 =	vor.u32 v26, v34  }
0xd1: {  	v24 =	vor.u32 v25, v24;
	v26 =	vor.u32 v27, v26;
	v27 =	vor.u32 v30, v28  }
0xd2: {  	v20 =	vor.u32 v20, v24;
	v21 =	vor.u32 v26, v21;
	v22 =	vor.u32 v27, v22  }
0xd3: {  	v17 =	vor.u32 v20, v17;
	v18 =	vor.u32 v18, v21;
	v19 =	vor.u32 v19, v22  }
0xd4: {  	v14 =	vor.u32 v14, v17;
	v15 =	vor.u32 v18, v15;
	v16 =	vor.u32 v19, v16  }
0xd5: {  	v11 =	vor.u32 v14, v11;
	v12 =	vor.u32 v12, v15;
	v13 =	vor.u32 v13, v16  }
0xd6: {  	v8 =	vor.u32 v8, v11;
	v9 =	vor.u32 v12, v9;
	v10 =	vor.u32 v13, v10  }
0xd7: {  	v5 =	vor.u32 v8, v5;
	v6 =	vor.u32 v6, v9;
	v7 =	vor.u32 v7, v10  }
0xd8: {  	v3 =	vor.u32 v23, v3;
	v4 =	vor.u32 v4, v5;
	v5 =	vor.u32 v6, v7  }
0xd9: {  	p0 =	seq.s32 s15, $0x7;
	v2 =	vor.u32 v2, v3;
	v3 =	vor.u32 v4, v5  }
0xda: {  	s16 =	sshll.u32 @!p0 s15, $0xD;
	v2 =	vor.u32 v2, v3  }
0xdb: {  	s17 =	simm.s32 @!p0 $0x0;
	s16 =	sadd.s32 @!p0 s8, s16;
	[tilespmem:s20+$0x10000] =	vst v2  }
0xdc: {  	[tilespmem:s17], [sflag:$0x1] =	stream.linear.gather @!p0 [hbm4b:s16+s17], $0x8000, $0x38;
	[tilespmem:$0x10800] =	vst v63  }
0xdd: {  	s16 =	simm.s32 $0x0;
	_ =	swait.ge [sflag:s11], $0x8000  }
0xde: {  	s30 =	sand.u32 $0x6000, s16;
	s18 =	sand.u32 $0x380, s16;
	[sflag:s11] =	ssyncset.done $0x0  }
0xdf: {  	s17 =	sor.u32 s18, s30;
	[sflag:s11] =	ssyncadd.s32 $0xFFFF8000  }
0xe0: {  	v2 =	vld [tilespmem:s17+$0x9C70]  }
0xe1: {  	v3 =	vld [tilespmem:s17+$0x9C30]  }
0xe2: {  	v4 =	vld [tilespmem:s17+$0x9C60]  }
0xe3: {  	v5 =	vld [tilespmem:s17+$0x9870]  }
0xe4: {  	v6 =	vld [tilespmem:s17+$0x9C20]  }
0xe5: {  	v7 =	vld [tilespmem:s17+$0x9C40]  }
0xe6: {  	v8 =	vld [tilespmem:s17+$0x9C50]  }
0xe7: {  	v9 =	vld [tilespmem:s17+$0x9830]  }
0xe8: {  	v10 =	vld [tilespmem:s17+$0x9860]  }
0xe9: {  	v11 =	vld [tilespmem:s17+$0x9C00]  }
0xea: {  	v12 =	vld [tilespmem:s17+$0x9C10]  }
0xeb: {  	v13 =	vld [tilespmem:s17+$0x9470]  }
0xec: {  	v14 =	vld [tilespmem:s17+$0x9820]  }
0xed: {  	v15 =	vld [tilespmem:s17+$0x9840]  }
0xee: {  	v16 =	vld [tilespmem:s17+$0x9850]  }
0xef: {  	v17 =	vld [tilespmem:s17+$0x9430]  }
0xf0: {  	v18 =	vld [tilespmem:s17+$0x9460]  }
0xf1: {  	v19 =	vld [tilespmem:s17+$0x9800]  }
0xf2: {  	v20 =	vld [tilespmem:s17+$0x9810]  }
0xf3: {  	v21 =	vld [tilespmem:s17+$0x9070]  }
0xf4: {  	v22 =	vld [tilespmem:s17+$0x9420]  }
0xf5: {  	v24 =	vld [tilespmem:s17+$0x9440]  }
0xf6: {  	v27 =	vld [tilespmem:s17+$0x9450]  }
0xf7: {  	v30 =	vld [tilespmem:s17+$0x9030]  }
0xf8: {  	v33 =	vld [tilespmem:s17+$0x9060]  }
0xf9: {  	v34 =	vld [tilespmem:s17+$0x9400]  }
0xfa: {  	v35 =	vld [tilespmem:s17+$0x9410]  }
0xfb: {  	v60 =	vld [tilespmem:s17+$0x8C70]  }
0xfc: {  	v41 =	vld [tilespmem:s17+$0x9020]  }
0xfd: {  	v43 =	vld [tilespmem:s17+$0x9040]  }
0xfe: {  	v46 =	vld [tilespmem:s17+$0x9050]  }
0xff: {  	v51 =	vld [tilespmem:s17+$0x8C30]  }
0x100: {  	v52 =	vld [tilespmem:s17+$0x8C60]  }
0x101: {  	v53 =	vld [tilespmem:s17+$0x9000]  }
0x102: {  	v54 =	vld [tilespmem:s17+$0x9010]  }
0x103: {  	v50 =	vld [tilespmem:s17+$0x8870]  }
0x104: {  	v55 =	vld [tilespmem:s17+$0x8C20]  }
0x105: {  	v56 =	vld [tilespmem:s17+$0x8C40]  }
0x106: {  	v57 =	vld [tilespmem:s17+$0x8C50]  }
0x107: {  	v49 =	vld [tilespmem:s17+$0x8830]  }
0x108: {  	v58 =	vld [tilespmem:s17+$0x8860]  }
0x109: {  	v26 =	vld [tilespmem:s17+$0x8C00]  }
0x10a: {  	v28 =	vld [tilespmem:s17+$0x8C10]  }
0x10b: {  	v48 =	vld [tilespmem:s17+$0x8470];
	v3 =	vshll.u32 v1, v3;
	v2 =	vshll.u32 v1, v2  }
0x10c: {  	v29 =	vld [tilespmem:s17+$0x8820];
	v23 =	vshll.u32 v1, v5;
	v5 =	vshll.u32 v1, v6;
	v4 =	vshll.u32 v1, v4  }
0x10d: {  	v31 =	vld [tilespmem:s17+$0x8840];
	v25 =	vshll.u32 v1, v9;
	v6 =	vshll.u32 v1, v7;
	v7 =	vshll.u32 v1, v8  }
0x10e: {  	v61 =	vld [tilespmem:s17+$0x8030];
	v8 =	vshll.u32 v1, v10;
	v9 =	vshll.u32 v1, v11;
	v10 =	vshll.u32 v1, v12  }
0x10f: {  	v62 =	vld [tilespmem:s17+$0x8070];
	v32 =	vshll.u32 v1, v13;
	v11 =	vshll.u32 v1, v14;
	v12 =	vshll.u32 v1, v15  }
0x110: {  	v63 =	vld [tilespmem:s17+$0x8430];
	v36 =	vshll.u32 v1, v17;
	v14 =	vshll.u32 v1, v18;
	v13 =	vshll.u32 v1, v16  }
0x111: {  	v37 =	vld [tilespmem:s17+$0x8850];
	v42 =	vshll.u32 v1, v21;
	v15 =	vshll.u32 v1, v19;
	v16 =	vshll.u32 v1, v20  }
0x112: {  	v39 =	vld [tilespmem:s17+$0x8460];
	v17 =	vshll.u32 v1, v22;
	v18 =	vshll.u32 v1, v24;
	v19 =	vshll.u32 v1, v27  }
0x113: {  	v40 =	vld [tilespmem:s17+$0x8800];
	v59 =	vshll.u32 v1, v30;
	v20 =	vshll.u32 v1, v33;
	v21 =	vshll.u32 v1, v34  }
0x114: {  	v44 =	vld [tilespmem:s17+$0x8810];
	v24 =	vshll.u32 v1, v61;
	v27 =	vshll.u32 v1, v62;
	v22 =	vshll.u32 v1, v35  }
0x115: {  	v45 =	vld [tilespmem:s17+$0x8420];
	v60 =	vshll.u32 v1, v60;
	v24 =	vor.u32 v27, v24;
	v27 =	vshll.u32 v1, v63  }
0x116: {  	v47 =	vld [tilespmem:s17+$0x8440];
	v30 =	vshll.u32 v1, v48;
	v61 =	vshll.u32 v1, v51;
	v27 =	vor.u32 v24, v27  }
0x117: {  	v48 =	vld [tilespmem:s17+$0x8450];
	v24 =	vshll.u32 v1, v41;
	v41 =	vshll.u32 v1, v49;
	v30 =	vor.u32 v30, v27  }
0x118: {  	v51 =	vld [tilespmem:s17+$0x8400];
	v27 =	vshll.u32 v1, v43;
	v43 =	vshll.u32 v1, v50;
	v33 =	vor.u32 v30, v41  }
0x119: {  	v35 =	vshll.u32 v1, v54;
	v38 =	vshll.u32 v1, v55;
	v49 =	vld [tilespmem:s17+$0x8020];
	v34 =	vor.u32 v43, v33  }
0x11a: {  	s31 =	sand.u32 $0x1E00, s16;
	v50 =	vld [tilespmem:s17+$0x8060];
	v30 =	vshll.u32 v1, v46;
	v41 =	vshll.u32 v1, v56;
	v62 =	vor.u32 v34, v61  }
0x11b: {  	s20 =	sshrl.u32 s31, $0x2;
	v46 =	vshll.u32 v1, v58;
	v33 =	vshll.u32 v1, v52;
	v52 =	vld [tilespmem:s17+$0x8040];
	v63 =	vor.u32 v60, v62  }
0x11c: {  	s19 =	simm.s32 $0x0;
	s18 =	simm.s32 $0x200;
	v43 =	vshll.u32 v1, v57;
	v34 =	vshll.u32 v1, v53;
	v53 =	vld [tilespmem:s20+$0x10000];
	v54 =	vor.u32 v63, v59  }
.LBB2_5:
0x11d: {  	p1 =	sne.s32 s18, $0x3E00;
	v55 =	vld [tilespmem:s17+$0x8010];
	v26 =	vshll.u32 v1, v26;
	v28 =	vshll.u32 v1, v28;
	v42 =	vor.u32 v42, v54  }
0x11e: {  	v29 =	vshll.u32 v1, v29;
	v31 =	vshll.u32 v1, v31;
	v54 =	vld [tilespmem:s17+$0x8000];
	v36 =	vor.u32 v42, v36  }
0x11f: {  	v39 =	vshll.u32 v1, v39;
	v37 =	vshll.u32 v1, v37;
	v42 =	vld [tilespmem:s17+$0x8050];
	v32 =	vor.u32 v32, v36  }
0x120: {  	v40 =	vshll.u32 v1, v40;
	v44 =	vshll.u32 v1, v44;
	v36 =	vld [tilespmem:s17+$0x8410];
	v25 =	vor.u32 v32, v25  }
0x121: {  	v32 =	vshll.u32 v1, v45;
	v45 =	vshll.u32 v1, v47;
	v23 =	vor.u32 v23, v25  }
0x122: {  	v48 =	vshll.u32 v1, v48;
	v47 =	vshll.u32 v1, v50;
	v25 =	vshll.u32 v1, v49  }
0x123: {  	v51 =	vshll.u32 v1, v51;
	v50 =	vshll.u32 v1, v52;
	v49 =	vshll.u32 v1, v54  }
0x124: {  	v52 =	vshll.u32 v1, v55;
	v49 =	vor.u32 v53, v49;
	v42 =	vshll.u32 v1, v42  }
0x125: {  	v49 =	vor.u32 v50, v49;
	v42 =	vor.u32 v42, v52;
	v36 =	vshll.u32 v1, v36  }
0x126: {  	v25 =	vor.u32 v47, v25;
	v47 =	vor.u32 v49, v51;
	v36 =	vor.u32 v42, v36  }
0x127: {  	v25 =	vor.u32 v25, v32;
	v42 =	vor.u32 v45, v47;
	v36 =	vor.u32 v48, v36  }
0x128: {  	v25 =	vor.u32 v39, v25;
	v32 =	vor.u32 v42, v40;
	v36 =	vor.u32 v36, v44  }
0x129: {  	v25 =	vor.u32 v25, v29;
	v31 =	vor.u32 v31, v32;
	v32 =	vor.u32 v37, v36  }
0x12a: {  	v25 =	vor.u32 v46, v25;
	v26 =	vor.u32 v31, v26;
	v28 =	vor.u32 v32, v28  }
0x12b: {  	v25 =	vor.u32 v25, v38;
	v26 =	vor.u32 v41, v26;
	v28 =	vor.u32 v43, v28  }
0x12c: {  	v25 =	vor.u32 v33, v25;
	v26 =	vor.u32 v26, v34;
	v28 =	vor.u32 v28, v35  }
0x12d: {  	v24 =	vor.u32 v25, v24;
	v26 =	vor.u32 v27, v26;
	v27 =	vor.u32 v30, v28  }
0x12e: {  	v20 =	vor.u32 v20, v24;
	v21 =	vor.u32 v26, v21;
	v22 =	vor.u32 v27, v22  }
0x12f: {  	v17 =	vor.u32 v20, v17;
	v18 =	vor.u32 v18, v21;
	v19 =	vor.u32 v19, v22  }
0x130: {  	v14 =	vor.u32 v14, v17;
	v15 =	vor.u32 v18, v15;
	v16 =	vor.u32 v19, v16  }
0x131: {  	v11 =	vor.u32 v14, v11;
	v12 =	vor.u32 v12, v15;
	v13 =	vor.u32 v13, v16  }
0x132: {  	v8 =	vor.u32 v8, v11;
	v9 =	vor.u32 v12, v9;
	v10 =	vor.u32 v13, v10  }
0x133: {  	v5 =	vor.u32 v8, v5;
	v6 =	vor.u32 v6, v9;
	v7 =	vor.u32 v7, v10  }
0x134: {  	v3 =	vor.u32 v23, v3;
	v4 =	vor.u32 v4, v5;
	v5 =	vor.u32 v6, v7  }
0x135: {  	s16 =	sadd.s32 $0x80, s16;
	s19 =	sadd.s32 $0x400, s19;
	v2 =	vor.u32 v2, v3;
	v3 =	vor.u32 v4, v5  }
0x136: {  	s21 =	sand.u32 $0x380, s16;
	s17 =	sand.u32 $0x6000, s19;
	v2 =	vor.u32 v2, v3  }
0x137: {  	s17 =	sor.u32 s21, s17;
	[tilespmem:s20+$0x10000] =	vst v2  }
0x138: {  	v2 =	vld [tilespmem:s17+$0x9C70]  }
0x139: {  	v3 =	vld [tilespmem:s17+$0x9C30]  }
0x13a: {  	v4 =	vld [tilespmem:s17+$0x9C60]  }
0x13b: {  	v5 =	vld [tilespmem:s17+$0x9870]  }
0x13c: {  	v6 =	vld [tilespmem:s17+$0x9C20]  }
0x13d: {  	v7 =	vld [tilespmem:s17+$0x9C40]  }
0x13e: {  	v8 =	vld [tilespmem:s17+$0x9C50]  }
0x13f: {  	v9 =	vld [tilespmem:s17+$0x9830]  }
0x140: {  	v10 =	vld [tilespmem:s17+$0x9860]  }
0x141: {  	v11 =	vld [tilespmem:s17+$0x9C00]  }
0x142: {  	v12 =	vld [tilespmem:s17+$0x9C10]  }
0x143: {  	v13 =	vld [tilespmem:s17+$0x9470]  }
0x144: {  	v14 =	vld [tilespmem:s17+$0x9820]  }
0x145: {  	v15 =	vld [tilespmem:s17+$0x9840]  }
0x146: {  	v16 =	vld [tilespmem:s17+$0x9850]  }
0x147: {  	v17 =	vld [tilespmem:s17+$0x9430]  }
0x148: {  	v18 =	vld [tilespmem:s17+$0x9460]  }
0x149: {  	v19 =	vld [tilespmem:s17+$0x9800]  }
0x14a: {  	v20 =	vld [tilespmem:s17+$0x9810]  }
0x14b: {  	v21 =	vld [tilespmem:s17+$0x9070]  }
0x14c: {  	v22 =	vld [tilespmem:s17+$0x9420]  }
0x14d: {  	v24 =	vld [tilespmem:s17+$0x9440]  }
0x14e: {  	v27 =	vld [tilespmem:s17+$0x9450]  }
0x14f: {  	v30 =	vld [tilespmem:s17+$0x9030]  }
0x150: {  	v33 =	vld [tilespmem:s17+$0x9060]  }
0x151: {  	v34 =	vld [tilespmem:s17+$0x9400]  }
0x152: {  	v35 =	vld [tilespmem:s17+$0x9410]  }
0x153: {  	v38 =	vld [tilespmem:s17+$0x8C70]  }
0x154: {  	v41 =	vld [tilespmem:s17+$0x9020]  }
0x155: {  	v43 =	vld [tilespmem:s17+$0x9040]  }
0x156: {  	v46 =	vld [tilespmem:s17+$0x9050]  }
0x157: {  	v51 =	vld [tilespmem:s17+$0x8C30]  }
0x158: {  	v52 =	vld [tilespmem:s17+$0x8C60]  }
0x159: {  	v53 =	vld [tilespmem:s17+$0x9000]  }
0x15a: {  	v54 =	vld [tilespmem:s17+$0x9010]  }
0x15b: {  	v50 =	vld [tilespmem:s17+$0x8870]  }
0x15c: {  	v55 =	vld [tilespmem:s17+$0x8C20]  }
0x15d: {  	v56 =	vld [tilespmem:s17+$0x8C40]  }
0x15e: {  	v57 =	vld [tilespmem:s17+$0x8C50]  }
0x15f: {  	v49 =	vld [tilespmem:s17+$0x8830]  }
0x160: {  	v58 =	vld [tilespmem:s17+$0x8860]  }
0x161: {  	v26 =	vld [tilespmem:s17+$0x8C00]  }
0x162: {  	v28 =	vld [tilespmem:s17+$0x8C10]  }
0x163: {  	v2 =	vshll.u32 v1, v2;
	v3 =	vshll.u32 v1, v3;
	v48 =	vld [tilespmem:s17+$0x8470]  }
0x164: {  	v4 =	vshll.u32 v1, v4;
	v23 =	vshll.u32 v1, v5;
	v5 =	vshll.u32 v1, v6;
	v29 =	vld [tilespmem:s17+$0x8820]  }
0x165: {  	v6 =	vshll.u32 v1, v7;
	v7 =	vshll.u32 v1, v8;
	v25 =	vshll.u32 v1, v9;
	v31 =	vld [tilespmem:s17+$0x8840]  }
0x166: {  	v8 =	vshll.u32 v1, v10;
	v9 =	vshll.u32 v1, v11;
	v10 =	vshll.u32 v1, v12;
	v44 =	vld [tilespmem:s17+$0x8030]  }
0x167: {  	v32 =	vshll.u32 v1, v13;
	v11 =	vshll.u32 v1, v14;
	v12 =	vshll.u32 v1, v15;
	v45 =	vld [tilespmem:s17+$0x8070]  }
0x168: {  	v13 =	vshll.u32 v1, v16;
	v36 =	vshll.u32 v1, v17;
	v14 =	vshll.u32 v1, v18;
	v47 =	vld [tilespmem:s17+$0x8430]  }
0x169: {  	v15 =	vshll.u32 v1, v19;
	v16 =	vshll.u32 v1, v20;
	v42 =	vshll.u32 v1, v21;
	v37 =	vld [tilespmem:s17+$0x8850]  }
0x16a: {  	v17 =	vshll.u32 v1, v22;
	v18 =	vshll.u32 v1, v24;
	v19 =	vshll.u32 v1, v27;
	v39 =	vld [tilespmem:s17+$0x8460]  }
0x16b: {  	v59 =	vshll.u32 v1, v30;
	v20 =	vshll.u32 v1, v33;
	v21 =	vshll.u32 v1, v34;
	v40 =	vld [tilespmem:s17+$0x8800]  }
0x16c: {  	v22 =	vshll.u32 v1, v35;
	v24 =	vshll.u32 v1, v44;
	v27 =	vshll.u32 v1, v45;
	v44 =	vld [tilespmem:s17+$0x8810]  }
0x16d: {  	v60 =	vshll.u32 v1, v38;
	v24 =	vor.u32 v27, v24;
	v45 =	vld [tilespmem:s17+$0x8420];
	v27 =	vshll.u32 v1, v47  }
0x16e: {  	v30 =	vshll.u32 v1, v48;
	v47 =	vld [tilespmem:s17+$0x8440];
	v27 =	vor.u32 v24, v27;
	v24 =	vshll.u32 v1, v41  }
0x16f: {  	v33 =	vshll.u32 v1, v49;
	v48 =	vld [tilespmem:s17+$0x8450];
	v30 =	vor.u32 v30, v27;
	v27 =	vshll.u32 v1, v43  }
.Ltmp3:
0x170: {  	v34 =	vshll.u32 v1, v50;
	v49 =	vld [tilespmem:s17+$0x8020];
	v33 =	vor.u32 v30, v33;
	v30 =	vshll.u32 v1, v46;
	(pc) =	sbr.rel @p1 .LBB2_5-.Ltmp3, $4  }
0x171: {  	v35 =	vshll.u32 v1, v51;
	v50 =	vld [tilespmem:s17+$0x8060];
	v34 =	vor.u32 v34, v33;
	v33 =	vshll.u32 v1, v52  }
0x172: {  	s20 =	sand.u32 $0x1E00, s18;
	v51 =	vld [tilespmem:s17+$0x8400];
	v43 =	vor.u32 v34, v35;
	v34 =	vshll.u32 v1, v53;
	v35 =	vshll.u32 v1, v54  }
0x173: {  	s20 =	sshrl.u32 s20, $0x2;
	v38 =	vshll.u32 v1, v55;
	v41 =	vshll.u32 v1, v56;
	v52 =	vld [tilespmem:s17+$0x8040];
	v54 =	vor.u32 v60, v43  }
0x174: {  	s18 =	sadd.s32 $0x200, s18;
	v46 =	vshll.u32 v1, v58;
	v43 =	vshll.u32 v1, v57;
	v53 =	vld [tilespmem:s20+$0x10000];
	v54 =	vor.u32 v54, v59  }
0x175: {  	v55 =	vld [tilespmem:s17+$0x8010];
	v26 =	vshll.u32 v1, v26;
	v28 =	vshll.u32 v1, v28;
	v42 =	vor.u32 v42, v54  }
0x176: {  	v57 =	vld [tilespmem:s17+$0x8000];
	v29 =	vshll.u32 v1, v29;
	v31 =	vshll.u32 v1, v31;
	v39 =	vshll.u32 v1, v39  }
0x177: {  	v58 =	vld [tilespmem:s17+$0x8050];
	v37 =	vshll.u32 v1, v37;
	v40 =	vshll.u32 v1, v40;
	v44 =	vshll.u32 v1, v44  }
0x178: {  	v59 =	vld [tilespmem:s17+$0x8410];
	v60 =	vshll.u32 v1, v47;
	v61 =	vshll.u32 v1, v49;
	v36 =	vor.u32 v42, v36  }
0x179: {  	v48 =	vshll.u32 v1, v48;
	v62 =	vshll.u32 v1, v50;
	v32 =	vor.u32 v32, v36  }
0x17a: {  	v51 =	vshll.u32 v1, v51;
	v25 =	vor.u32 v32, v25;
	v32 =	vshll.u32 v1, v45  }
0x17b: {  	v56 =	vshll.u32 v1, v52;
	v23 =	vor.u32 v23, v25;
	v63 =	vshll.u32 v1, v57  }
0x17c: {  	v57 =	vshll.u32 v1, v55;
	v42 =	vshll.u32 v1, v58;
	v49 =	vor.u32 v53, v63  }
0x17d: {  	v36 =	vshll.u32 v1, v59;
	v42 =	vor.u32 v42, v57;
	v49 =	vor.u32 v56, v49  }
0x17e: {  	v25 =	vor.u32 v62, v61;
	v36 =	vor.u32 v42, v36;
	v58 =	vor.u32 v49, v51  }
0x17f: {  	v25 =	vor.u32 v25, v32;
	v36 =	vor.u32 v48, v36;
	v59 =	vor.u32 v60, v58  }
0x180: {  	v25 =	vor.u32 v39, v25;
	v36 =	vor.u32 v36, v44;
	v60 =	vor.u32 v59, v40  }
0x181: {  	v25 =	vor.u32 v25, v29;
	v61 =	vor.u32 v37, v36;
	v31 =	vor.u32 v31, v60  }
0x182: {  	v25 =	vor.u32 v46, v25;
	v28 =	vor.u32 v61, v28;
	v26 =	vor.u32 v31, v26  }
0x183: {  	v25 =	vor.u32 v25, v38;
	v28 =	vor.u32 v43, v28;
	v26 =	vor.u32 v41, v26  }
0x184: {  	v25 =	vor.u32 v33, v25;
	v28 =	vor.u32 v28, v35;
	v26 =	vor.u32 v26, v34  }
0x185: {  	v24 =	vor.u32 v25, v24;
	v62 =	vor.u32 v30, v28;
	v26 =	vor.u32 v27, v26  }
0x186: {  	v20 =	vor.u32 v20, v24;
	v22 =	vor.u32 v62, v22;
	v21 =	vor.u32 v26, v21  }
0x187: {  	v17 =	vor.u32 v20, v17;
	v19 =	vor.u32 v19, v22;
	v18 =	vor.u32 v18, v21  }
0x188: {  	v14 =	vor.u32 v14, v17;
	v16 =	vor.u32 v19, v16;
	v15 =	vor.u32 v18, v15  }
0x189: {  	v11 =	vor.u32 v14, v11;
	v13 =	vor.u32 v13, v16;
	v12 =	vor.u32 v12, v15  }
0x18a: {  	v8 =	vor.u32 v8, v11;
	v10 =	vor.u32 v13, v10;
	v9 =	vor.u32 v12, v9  }
.Ltmp4:
0x18b: {  	v5 =	vor.u32 v8, v5;
	v7 =	vor.u32 v7, v10;
	v6 =	vor.u32 v6, v9;
	(pc) =	sbr.rel @p0 .LBB2_8-.Ltmp4, $4  }
0x18c: {  	v3 =	vor.u32 v23, v3;
	v4 =	vor.u32 v4, v5;
	v63 =	vor.u32 v6, v7  }
0x18d: {  	v2 =	vor.u32 v2, v3;
	v3 =	vor.u32 v4, v63  }
0x18e: {  	v2 =	vor.u32 v2, v3  }
0x18f: {  	[tilespmem:s20+$0x10000] =	vst v2  }
.Ltmp5:
0x190: {  	(pc) =	sbr.rel .LBB2_2-.Ltmp5, $4  }
0x191: {  	_ = 	snop  }
0x192: {  	s16 =	sshll.u32 s15, $0xD  }
0x193: {  	s15 =	sadd.s32 $0x1, s15;
	s16 =	sadd.s32 s9, s16  }
0x194: {  	[tilespmem:s10], [sflag:$0x2] =	stream.linear.gather [hbm4b:s16+s2], $0x8000, $0x38;
	[tilespmem:$0x10800] =	vst v63  }
.LBB2_9:
0x195: {  	_ =	sfence.sel $0x180000  }
0x196: {  	[bflag:$0x0] =	sbarrier.arrive $0xFFFF  }
0x197: {  	p0 =	sne.s32 s0, $0x0;
	_ =	strace $0x90000047  }
0x198: {  	s0 =	sadd.s32 @!p0 $0x100000, s1;
	[bflag:$0x2] =	sbarrier.arrive $0xFFFF  }
0x199: {  	[sflag:s0] =	ssyncadd.tile.s32 @!p0 $0x1;
	_ =	shalt  }
.Lfunc_end2:
_tile_overlayer_lowered:
.L_overlay_start_2:
0x19a: {  	(tag) =	ssettag $0x2  }
0x19b: {  	s0 =	rddreg [dreg:$0x0];
	s2 =	stileid.u32  }
0x19c: {  	s1 =	rddreg [dreg:$0x1];
	p0 =	sne.s32 s2, $0x0  }
0x19d: {  	s3 =	rddreg [dreg:$0x2];
	[bflag:$0x3] =	sbarrier.arrive $0xFFFF;
	s2 =	simm.s32 @!p0 $0x1C03  }
0x19e: {  	[timem:s3], [sflag:s2] =	dma.local @!p0 [hbm:s0], s1  }
0x19f: {  	s0 =	simm.s32 @!p0 $0x3  }
0x1a0: {  	_ =	swait.ge @!p0 [sflag:s0], s1  }
0x1a1: {  	s1 =	ssub.s32 @!p0 $0x0, s1;
	[sflag:s0] =	ssyncset.done @!p0 $0x0  }
0x1a2: {  	[sflag:s0] =	ssyncadd.s32 @!p0 s1  }
0x1a3: {  	[bflag:$0x3] =	sbarrier.arrive $0xFFFF  }
0x1a4: {  	_ =	shalt  }

</sc_bundles>
